<compile_context>
chip_gen: v7x
topology: tpu7x:2x2x1
jax: 0.10.2.dev20260603
libtpu: 0.0.44.dev20260713+nightly
codegen_flags: <defaults>
</compile_context>

<pallas_src>
import functools

import jax
import jax.numpy as jnp
from jax import lax
from jax.experimental import pallas as pl
from jax.experimental.pallas import tpu as pltpu
from jax.experimental.pallas import tpu_sc as plsc

N = 10000
E = 320000
D = 128
CUTOFF = 6.0
NRB = 8
MLP_H = 64
MSG_CH = 2 * D
AVG_NEIGH = 32.0

NC = 2
NS = 16
LANES = 16

_HI = jax.lax.Precision.HIGHEST



def _mm_body(x_ref, w_ref, o_ref):
    o_ref[...] = jax.lax.dot_general(
        x_ref[...], w_ref[...], (((1,), (0,)), ((), ())), precision=_HI)


def _linear_up(node_feats, w_up):
    bn = 2000
    return pl.pallas_call(
        _mm_body,
        grid=(N // bn,),
        in_specs=[
            pl.BlockSpec((bn, D), lambda i: (i, 0)),
            pl.BlockSpec((D, D), lambda i: (0, 0)),
        ],
        out_specs=pl.BlockSpec((bn, D), lambda i: (i, 0)),
        out_shape=jax.ShapeDtypeStruct((N, D), jnp.float32),
    )(node_feats, w_up)



_EB = 80
_PER_W2 = E // (NC * NS)
_NPAD = 10240


def _gather_pos_kernel(px_hbm, py_hbm, pz_hbm, send_hbm, recv_hbm, vec_hbm,
                       px_v, py_v, pz_v, ids_v, idr_v, vbuf_v):
    wid = lax.axis_index("s") * NC + lax.axis_index("c")
    pltpu.sync_copy(px_hbm, px_v.at[pl.ds(0, N)])
    pltpu.sync_copy(py_hbm, py_v.at[pl.ds(0, N)])
    pltpu.sync_copy(pz_hbm, pz_v.at[pl.ds(0, N)])
    nblk = _PER_W2 // _EB

    def body(b, _):
        base = wid * _PER_W2 + b * _EB
        pltpu.sync_copy(send_hbm.at[pl.ds(base, _EB)], ids_v)
        pltpu.sync_copy(recv_hbm.at[pl.ds(base, _EB)], idr_v)

        def grp(g, _):
            s_idx = ids_v[pl.ds(g * LANES, LANES)]
            r_idx = idr_v[pl.ds(g * LANES, LANES)]
            lane = (lax.broadcasted_iota(jnp.int32, (LANES,), 0) * LANES
                    + g * LANES * LANES)
            for c, tab in ((0, px_v), (1, py_v), (2, pz_v)):
                v = (plsc.load_gather(tab, [r_idx])
                     - plsc.load_gather(tab, [s_idx]))
                plsc.store_scatter(vbuf_v, [lane + c], v)
            return 0

        lax.fori_loop(0, _EB // LANES, grp, 0)
        pltpu.sync_copy(vbuf_v, vec_hbm.at[pl.ds(base * LANES, _EB * LANES)])
        return 0

    lax.fori_loop(0, nblk, body, 0)


def _gather_positions(px, py, pz, senders, receivers):
    mesh = plsc.VectorSubcoreMesh(core_axis_name="c", subcore_axis_name="s")
    fn = functools.partial(
        pl.kernel,
        out_type=jax.ShapeDtypeStruct((E * LANES,), jnp.float32),
        mesh=mesh,
        scratch_types=[
            pltpu.VMEM((_NPAD,), jnp.float32),
            pltpu.VMEM((_NPAD,), jnp.float32),
            pltpu.VMEM((_NPAD,), jnp.float32),
            pltpu.VMEM((_EB,), jnp.int32),
            pltpu.VMEM((_EB,), jnp.int32),
            pltpu.VMEM((_EB * LANES,), jnp.float32),
        ],
        compiler_params=pltpu.CompilerParams(needs_layout_passes=False),
    )(_gather_pos_kernel)
    return fn(px, py, pz, senders, receivers)



def _edge_mix_body(vec_ref, w1_ref, w2_ref, wsh_ref, o_ref):
    vec = vec_ref[...][:, :3]
    r2 = jnp.sum(vec * vec, axis=1, keepdims=True) + 1e-9
    r = jnp.sqrt(r2)
    xr = r / CUTOFF

    safe = jnp.where(xr > 1e-6, xr, 1e-6)
    ks = (lax.broadcasted_iota(jnp.int32, (1, NRB), 1) + 1).astype(jnp.float32)
    bes = jnp.sqrt(2.0) * jnp.sin(jnp.pi * ks * xr) / safe

    xc = jnp.clip(xr, 0.0, 0.999)
    x2 = xc * xc
    env = 1.2 * jnp.exp(-2.0 * x2 / (1.0 - x2)) * (xr < 1.0).astype(jnp.float32)
    rb = bes * env

    u = vec / r
    x = u[:, 0:1]
    y = u[:, 1:2]
    z = u[:, 2:3]
    s3 = jnp.sqrt(3.0)
    s15 = jnp.sqrt(15.0)
    s5h = jnp.sqrt(5.0) / 2.0
    sh = jnp.concatenate([
        s3 * x, s3 * y, s3 * z,
        s15 * x * y,
        s15 * y * z,
        s5h * (3.0 * z * z - 1.0),
        s15 * x * z,
        (s15 / 2.0) * (x * x - y * y),
        y * (3.0 * x * x - y * y),
        x * y * z,
        y * (4.0 * z * z - x * x - y * y),
        z * (2.0 * z * z - 3.0 * x * x - 3.0 * y * y),
        x * (4.0 * z * z - x * x - y * y),
        z * (x * x - y * y),
        x * (x * x - 3.0 * y * y),
    ], axis=1)
    gate = jnp.sum(sh * wsh_ref[0:1, :15], axis=1, keepdims=True)

    a = jax.nn.gelu(jax.lax.dot_general(
        rb, w1_ref[...], (((1,), (0,)), ((), ())), precision=_HI))
    mix = jax.lax.dot_general(
        a, w2_ref[...], (((1,), (0,)), ((), ())), precision=_HI)
    o_ref[0] = mix[:, :D]
    o_ref[1] = mix[:, D:] * gate


def _edge_mix(vec, w1, w2, wsh_pad):
    be = 2000
    return pl.pallas_call(
        _edge_mix_body,
        grid=(E // be,),
        in_specs=[
            pl.BlockSpec((be, LANES), lambda i: (i, 0)),
            pl.BlockSpec((NRB, MLP_H), lambda i: (0, 0)),
            pl.BlockSpec((MLP_H, MSG_CH), lambda i: (0, 0)),
            pl.BlockSpec((8, 128), lambda i: (0, 0)),
        ],
        out_specs=pl.BlockSpec((2, be, D), lambda i: (0, i, 0)),
        out_shape=jax.ShapeDtypeStruct((2, E, D), jnp.float32),
    )(vec, w1, w2, wsh_pad)



_PER_S4 = E // NS
_ZROW = 200
_NCHUNK = N // _ZROW


def _scatter_kernel(h_hbm, send_hbm, recv_hbm, mix_hbm, agg_hbm,
                    idx_s, idx_r, msg_v, mix_v, zbuf, sem, agg_sh):
    cid = lax.axis_index("c")
    sid = lax.axis_index("s")

    def zb(k, _):
        rr = k // 8
        jj = (k % 8) * LANES
        zbuf[rr, pl.ds(jj, LANES)] = jnp.zeros((LANES,), jnp.float32)
        return 0
    lax.fori_loop(0, _ZROW * 8, zb, 0)

    def zcp(t, _):
        c = t * NS + sid

        @pl.when(c < _NCHUNK)
        def _():
            pltpu.sync_copy(zbuf, agg_sh.at[pl.ds(c * _ZROW, _ZROW)])
        return 0
    lax.fori_loop(0, (_NCHUNK + NS - 1) // NS, zcp, 0)
    plsc.subcore_barrier()

    nblk = _PER_S4 // _EB

    def body(b, _):
        base = sid * _PER_S4 + b * _EB
        pltpu.sync_copy(send_hbm.at[pl.ds(base, _EB)], idx_s)
        pltpu.sync_copy(recv_hbm.at[pl.ds(base, _EB)], idx_r)
        pltpu.async_copy(h_hbm.at[idx_s], msg_v, sem).wait()
        pltpu.sync_copy(mix_hbm.at[cid, pl.ds(base, _EB), :], mix_v)

        def mul(k, _):
            rr = k // 8
            jj = (k % 8) * LANES
            msg_v[rr, pl.ds(jj, LANES)] = (
                msg_v[rr, pl.ds(jj, LANES)] * mix_v[rr, pl.ds(jj, LANES)])
            return 0
        lax.fori_loop(0, _EB * 8, mul, 0)

        pltpu.sync_copy(msg_v, agg_sh.at[idx_r], add=True)
        return 0

    lax.fori_loop(0, nblk, body, 0)
    plsc.subcore_barrier()

    def ocp(t, _):
        c = t * NS + sid

        @pl.when(c < _NCHUNK)
        def _():
            row0 = c * _ZROW
            pltpu.sync_copy(agg_sh.at[pl.ds(row0, _ZROW)], zbuf)
            pltpu.sync_copy(zbuf, agg_hbm.at[cid, pl.ds(row0, _ZROW), :])
        return 0
    lax.fori_loop(0, (_NCHUNK + NS - 1) // NS, ocp, 0)


def _gather_scatter(h, senders, receivers, mix):
    mesh = plsc.VectorSubcoreMesh(core_axis_name="c", subcore_axis_name="s")
    fn = functools.partial(
        pl.kernel,
        out_type=jax.ShapeDtypeStruct((2, N, D), jnp.float32),
        mesh=mesh,
        scratch_types=[
            pltpu.VMEM((_EB,), jnp.int32),
            pltpu.VMEM((_EB,), jnp.int32),
            pltpu.VMEM((_EB, D), jnp.float32),
            pltpu.VMEM((_EB, D), jnp.float32),
            pltpu.VMEM((_ZROW, D), jnp.float32),
            pltpu.SemaphoreType.DMA,
            pltpu.VMEM_SHARED((N, D), jnp.float32),
        ],
        compiler_params=pltpu.CompilerParams(needs_layout_passes=False),
    )(_scatter_kernel)
    return fn(h, senders, receivers, mix)



def _down_body(agg_ref, wd_ref, o_ref):
    o_ref[...] = (
        jax.lax.dot_general(agg_ref[0], wd_ref[0],
                            (((1,), (0,)), ((), ())), precision=_HI)
        + jax.lax.dot_general(agg_ref[1], wd_ref[1],
                              (((1,), (0,)), ((), ())), precision=_HI))


def _linear_down(agg, wd):
    bn = 2000
    return pl.pallas_call(
        _down_body,
        grid=(N // bn,),
        in_specs=[
            pl.BlockSpec((2, bn, D), lambda i: (0, i, 0)),
            pl.BlockSpec((2, D, D), lambda i: (0, 0, 0)),
        ],
        out_specs=pl.BlockSpec((bn, D), lambda i: (i, 0)),
        out_shape=jax.ShapeDtypeStruct((N, D), jnp.float32),
    )(agg, wd)



def kernel(positions, node_feats, senders, receivers, W_up, W1, W2, w_sh,
           W_down):
    wsh_pad = jnp.zeros((8, 128), jnp.float32).at[0, :15].set(w_sh[:, 0])
    wd = (W_down / jnp.sqrt(AVG_NEIGH)).reshape(2, D, D)

    h = _linear_up(node_feats, W_up)
    vec1d = _gather_positions(positions[:, 0], positions[:, 1],
                              positions[:, 2], senders, receivers)
    mix = _edge_mix(vec1d.reshape(E, LANES), W1, W2, wsh_pad)
    agg = _gather_scatter(h, senders, receivers, mix)
    return _linear_down(agg, wd)

# --- scband reference (transcript-rebuilt; emitter-appended) ---
"""Pipeline reference for scband-message-passing-convolution-haiku-70583492542673 (READ-ONLY COPY).

The authoritative reference and input builder live on the scoring server;
editing this copy changes nothing except your own understanding.
"""

import jax, jax.numpy as jnp
import numpy as np

N = 10000
E = 320000
D = 128
CUTOFF = 6.0
NRB = 8
SH_DIM = 15  # l=1..3 -> 3+5+7
MLP_H = 64
MSG_CH = 2 * D
AVG_NEIGH = 32.0


def _bessel(x, n):
    # e3nn-style bessel basis on x in [0,1]: sqrt(2)*sin(k*pi*x)/x, k=1..n
    xs = x[:, None]
    ks = jnp.arange(1, n + 1, dtype=jnp.float32)[None, :]
    safe_x = jnp.where(xs > 1e-6, xs, 1e-6)
    return jnp.sqrt(2.0) * jnp.sin(jnp.pi * ks * xs) / safe_x


def _soft_envelope(x):
    # smooth cutoff envelope, value ~1.2 at origin, ->0 as x->1 (e3nn soft_envelope spirit)
    xc = jnp.clip(x, 0.0, 0.999)
    x2 = xc * xc
    env = 1.2 * jnp.exp(-2.0 * x2 / (1.0 - x2))
    return env * (x < 1.0).astype(x.dtype)


def _sph_harm(vec):
    # real spherical harmonics l=1..3 of unit vectors, [E,3] -> [E,15]
    r = jnp.sqrt(jnp.sum(vec * vec, axis=-1, keepdims=True) + 1e-9)
    u = vec / r
    x, y, z = u[:, 0], u[:, 1], u[:, 2]
    l1 = jnp.sqrt(3.0) * u
    l2 = jnp.stack([
        jnp.sqrt(15.0) * x * y,
        jnp.sqrt(15.0) * y * z,
        (jnp.sqrt(5.0) / 2.0) * (3.0 * z * z - 1.0),
        jnp.sqrt(15.0) * x * z,
        (jnp.sqrt(15.0) / 2.0) * (x * x - y * y),
    ], axis=-1)
    l3 = jnp.stack([
        y * (3.0 * x * x - y * y),
        x * y * z,
        y * (4.0 * z * z - x * x - y * y),
        z * (2.0 * z * z - 3.0 * x * x - 3.0 * y * y),
        x * (4.0 * z * z - x * x - y * y),
        z * (x * x - y * y),
        x * (x * x - 3.0 * y * y),
    ], axis=-1)
    return jnp.concatenate([l1, l2, l3], axis=-1)


def setup_inputs(seed: int = 0) -> dict:
    key = jax.random.key(seed)
    k1, k2, k3, k4, k5, k6, k7, k8, k9 = jax.random.split(key, 9)
    positions = jax.random.normal(k1, (N, 3), dtype=jnp.float32) * 2.0
    node_feats = jax.random.normal(k2, (N, D), dtype=jnp.float32)
    senders = jax.random.randint(k3, (E,), 0, N, dtype=jnp.int64 if jax.config.jax_enable_x64 else jnp.int32).astype(jnp.int32)
    receivers = jax.random.randint(k4, (E,), 0, N, dtype=jnp.int32)
    W_up = jax.random.normal(k5, (D, D), dtype=jnp.float32) / jnp.sqrt(D)
    W1 = jax.random.normal(k6, (NRB, MLP_H), dtype=jnp.float32) / jnp.sqrt(NRB)
    W2 = jax.random.normal(k7, (MLP_H, MSG_CH), dtype=jnp.float32) / jnp.sqrt(MLP_H)
    w_sh = jax.random.normal(k8, (SH_DIM, 1), dtype=jnp.float32) / jnp.sqrt(SH_DIM)
    W_down = jax.random.normal(k9, (MSG_CH, D), dtype=jnp.float32) / jnp.sqrt(MSG_CH)
    return {
        'positions': positions, 'node_feats': node_feats,
        'senders': senders, 'receivers': receivers,
        'W_up': W_up, 'W1': W1, 'W2': W2, 'w_sh': w_sh, 'W_down': W_down,
    }


def reference(positions, node_feats, senders, receivers, W_up, W1, W2, w_sh, W_down):
    # edge vectors (gather)
    vec = positions[receivers] - positions[senders]
    r = jnp.sqrt(jnp.sum(vec * vec, axis=-1) + 1e-9)
    xr = r / CUTOFF
    # radial basis * envelope (scalar edge attrs, 0e)
    rb = _bessel(xr, NRB) * _soft_envelope(xr)[:, None]
    # spherical harmonics l=1..3 (non-scalar edge attrs)
    sh = _sph_harm(vec)
    # linear_up
    h = node_feats @ W_up
    # gather messages from senders
    msg = h[senders]
    # tensor-product path: couple messages with angular edge attrs
    edge_gate = sh @ w_sh  # [E,1]
    tp = msg * edge_gate
    messages = jnp.concatenate([msg, tp], axis=-1)  # [E, 2D]
    # MLP mix from scalar edge attrs (no output activation)
    mix = jax.nn.gelu(rb @ W1) @ W2  # [E, 2D]
    messages = messages * mix
    # scatter-add into receivers
    agg = jnp.zeros((node_feats.shape[0], MSG_CH), dtype=messages.dtype).at[receivers].add(messages)
    agg = agg / jnp.sqrt(AVG_NEIGH)
    # linear_down to target irreps
    out = agg @ W_down
    return out

if __name__ == "__main__":
    import jax
    _d = setup_inputs()
    print(jax.jit(kernel)(*tuple(_d.values())))

</pallas_src>

<mosaic_0001>
#map = affine_map<(d0, d1) -> (0)>
module attributes {stable_mosaic.version = 14 : i64} {
  func.func @_gather_pos_kernel(%arg0: i32, %arg1: i32, %arg2: memref<10000xf32, #tpu.memory_space<hbm>>, %arg3: memref<10000xf32, #tpu.memory_space<hbm>>, %arg4: memref<10000xf32, #tpu.memory_space<hbm>>, %arg5: memref<320000xi32, #tpu.memory_space<hbm>>, %arg6: memref<320000xi32, #tpu.memory_space<hbm>>, %arg7: memref<5120000xf32, #tpu.memory_space<hbm>>, %arg8: memref<10240xf32, #tpu.memory_space<vmem>>, %arg9: memref<10240xf32, #tpu.memory_space<vmem>>, %arg10: memref<10240xf32, #tpu.memory_space<vmem>>, %arg11: memref<80xi32, #tpu.memory_space<vmem>>, %arg12: memref<80xi32, #tpu.memory_space<vmem>>, %arg13: memref<1280xf32, #tpu.memory_space<vmem>>) attributes {dimension_semantics = [#tpu.dimension_semantics<core_parallel>, #tpu.dimension_semantics<subcore_parallel>], iteration_bounds = array<i64: 2, 16>, scalar_prefetch = 0 : i64, scratch_operands = 6 : i64, tpu.core_type = #tpu.core_type<sc_vector_subcore>, window_params = [{transform_indices = #map}, {transform_indices = #map}, {transform_indices = #map}, {transform_indices = #map}, {transform_indices = #map}, {transform_indices = #map}]} {
    %mul3A = arith.constant 2 : i32
    %mul3A_0 = arith.muli %arg1, %mul3A : i32
    %add3A = arith.addi %mul3A_0, %arg0 : i32
    "tpu.region"() ({
      %run_scoped3A = tpu.sem_alloc : memref<!tpu.dma_semaphore, #tpu.memory_space<semaphore_mem>>
      %dma_start3A = arith.constant 0 : i32
      %dma_start3A_7 = tpu.memref_slice %arg8[%dma_start3A] : memref<10240xf32, #tpu.memory_space<vmem>> -> memref<10000xf32, #tpu.memory_space<vmem>>
      %dma_start3A_8 = arith.constant 0 : i32
      %dma_start3A_9 = tpu.memref_slice %arg8[%dma_start3A_8] : memref<10240xf32, #tpu.memory_space<vmem>> -> memref<10000xf32, #tpu.memory_space<vmem>>
      tpu.enqueue_dma source(%arg2 : memref<10000xf32, #tpu.memory_space<hbm>>) target(%dma_start3A_9 : memref<10000xf32, #tpu.memory_space<vmem>>) target_semaphore(%run_scoped3A : memref<!tpu.dma_semaphore, #tpu.memory_space<semaphore_mem>>)
      %dma_wait3A = arith.constant 0 : i32
      %dma_wait3A_10 = tpu.memref_slice %arg8[%dma_wait3A] : memref<10240xf32, #tpu.memory_space<vmem>> -> memref<10000xf32, #tpu.memory_space<vmem>>
      %dma_wait3A_11 = arith.constant 0 : i32
      %dma_wait3A_12 = tpu.memref_slice %arg8[%dma_wait3A_11] : memref<10240xf32, #tpu.memory_space<vmem>> -> memref<10000xf32, #tpu.memory_space<vmem>>
      tpu.wait_dma2 semaphore(%run_scoped3A : memref<!tpu.dma_semaphore, #tpu.memory_space<semaphore_mem>>) src(%arg2 : memref<10000xf32, #tpu.memory_space<hbm>>) dst(%dma_wait3A_12 : memref<10000xf32, #tpu.memory_space<vmem>>)
      tpu.yield
    }) : () -> ()
    "tpu.region"() ({
      %run_scoped3A = tpu.sem_alloc : memref<!tpu.dma_semaphore, #tpu.memory_space<semaphore_mem>>
      %dma_start3A = arith.constant 0 : i32
      %dma_start3A_7 = tpu.memref_slice %arg9[%dma_start3A] : memref<10240xf32, #tpu.memory_space<vmem>> -> memref<10000xf32, #tpu.memory_space<vmem>>
      %dma_start3A_8 = arith.constant 0 : i32
      %dma_start3A_9 = tpu.memref_slice %arg9[%dma_start3A_8] : memref<10240xf32, #tpu.memory_space<vmem>> -> memref<10000xf32, #tpu.memory_space<vmem>>
      tpu.enqueue_dma source(%arg3 : memref<10000xf32, #tpu.memory_space<hbm>>) target(%dma_start3A_9 : memref<10000xf32, #tpu.memory_space<vmem>>) target_semaphore(%run_scoped3A : memref<!tpu.dma_semaphore, #tpu.memory_space<semaphore_mem>>)
      %dma_wait3A = arith.constant 0 : i32
      %dma_wait3A_10 = tpu.memref_slice %arg9[%dma_wait3A] : memref<10240xf32, #tpu.memory_space<vmem>> -> memref<10000xf32, #tpu.memory_space<vmem>>
      %dma_wait3A_11 = arith.constant 0 : i32
      %dma_wait3A_12 = tpu.memref_slice %arg9[%dma_wait3A_11] : memref<10240xf32, #tpu.memory_space<vmem>> -> memref<10000xf32, #tpu.memory_space<vmem>>
      tpu.wait_dma2 semaphore(%run_scoped3A : memref<!tpu.dma_semaphore, #tpu.memory_space<semaphore_mem>>) src(%arg3 : memref<10000xf32, #tpu.memory_space<hbm>>) dst(%dma_wait3A_12 : memref<10000xf32, #tpu.memory_space<vmem>>)
      tpu.yield
    }) : () -> ()
    "tpu.region"() ({
      %run_scoped3A = tpu.sem_alloc : memref<!tpu.dma_semaphore, #tpu.memory_space<semaphore_mem>>
      %dma_start3A = arith.constant 0 : i32
      %dma_start3A_7 = tpu.memref_slice %arg10[%dma_start3A] : memref<10240xf32, #tpu.memory_space<vmem>> -> memref<10000xf32, #tpu.memory_space<vmem>>
      %dma_start3A_8 = arith.constant 0 : i32
      %dma_start3A_9 = tpu.memref_slice %arg10[%dma_start3A_8] : memref<10240xf32, #tpu.memory_space<vmem>> -> memref<10000xf32, #tpu.memory_space<vmem>>
      tpu.enqueue_dma source(%arg4 : memref<10000xf32, #tpu.memory_space<hbm>>) target(%dma_start3A_9 : memref<10000xf32, #tpu.memory_space<vmem>>) target_semaphore(%run_scoped3A : memref<!tpu.dma_semaphore, #tpu.memory_space<semaphore_mem>>)
      %dma_wait3A = arith.constant 0 : i32
      %dma_wait3A_10 = tpu.memref_slice %arg10[%dma_wait3A] : memref<10240xf32, #tpu.memory_space<vmem>> -> memref<10000xf32, #tpu.memory_space<vmem>>
      %dma_wait3A_11 = arith.constant 0 : i32
      %dma_wait3A_12 = tpu.memref_slice %arg10[%dma_wait3A_11] : memref<10240xf32, #tpu.memory_space<vmem>> -> memref<10000xf32, #tpu.memory_space<vmem>>
      tpu.wait_dma2 semaphore(%run_scoped3A : memref<!tpu.dma_semaphore, #tpu.memory_space<semaphore_mem>>) src(%arg4 : memref<10000xf32, #tpu.memory_space<hbm>>) dst(%dma_wait3A_12 : memref<10000xf32, #tpu.memory_space<vmem>>)
      tpu.yield
    }) : () -> ()
    %scan3A = arith.constant 0 : i32
    %scan3A_1 = arith.constant 0 : i32
    %scan3A_2 = arith.constant 125 : i32
    %scan3A_3 = arith.addi %scan3A_1, %scan3A_2 : i32
    %scan3A_4 = arith.constant 1 : i32
    %scan3A_5 = scf.for %scan3A_7 = %scan3A_1 to %scan3A_3 step %scan3A_4 iter_args(%scan3A_8 = %scan3A) -> (i32)  : i32 {
      %mul3A_9 = arith.constant 10000 : i32
      %mul3A_10 = arith.muli %add3A, %mul3A_9 : i32
      %mul3A_11 = arith.constant 80 : i32
      %mul3A_12 = arith.muli %scan3A_7, %mul3A_11 : i32
      %add3A_13 = arith.addi %mul3A_10, %mul3A_12 : i32
      "tpu.region"() ({
        %run_scoped3A = tpu.sem_alloc : memref<!tpu.dma_semaphore, #tpu.memory_space<semaphore_mem>>
        %dma_start3A = tpu.memref_slice %arg5[%add3A_13] : memref<320000xi32, #tpu.memory_space<hbm>> -> memref<80xi32, #tpu.memory_space<hbm>>
        %dma_start3A_24 = tpu.memref_slice %arg5[%add3A_13] : memref<320000xi32, #tpu.memory_space<hbm>> -> memref<80xi32, #tpu.memory_space<hbm>>
        tpu.enqueue_dma source(%dma_start3A_24 : memref<80xi32, #tpu.memory_space<hbm>>) target(%arg11 : memref<80xi32, #tpu.memory_space<vmem>>) target_semaphore(%run_scoped3A : memref<!tpu.dma_semaphore, #tpu.memory_space<semaphore_mem>>)
        %dma_wait3A = tpu.memref_slice %arg5[%add3A_13] : memref<320000xi32, #tpu.memory_space<hbm>> -> memref<80xi32, #tpu.memory_space<hbm>>
        %dma_wait3A_25 = tpu.memref_slice %arg5[%add3A_13] : memref<320000xi32, #tpu.memory_space<hbm>> -> memref<80xi32, #tpu.memory_space<hbm>>
        tpu.wait_dma2 semaphore(%run_scoped3A : memref<!tpu.dma_semaphore, #tpu.memory_space<semaphore_mem>>) src(%dma_wait3A_25 : memref<80xi32, #tpu.memory_space<hbm>>) dst(%arg11 : memref<80xi32, #tpu.memory_space<vmem>>)
        tpu.yield
      }) : () -> ()
      "tpu.region"() ({
        %run_scoped3A = tpu.sem_alloc : memref<!tpu.dma_semaphore, #tpu.memory_space<semaphore_mem>>
        %dma_start3A = tpu.memref_slice %arg6[%add3A_13] : memref<320000xi32, #tpu.memory_space<hbm>> -> memref<80xi32, #tpu.memory_space<hbm>>
        %dma_start3A_24 = tpu.memref_slice %arg6[%add3A_13] : memref<320000xi32, #tpu.memory_space<hbm>> -> memref<80xi32, #tpu.memory_space<hbm>>
        tpu.enqueue_dma source(%dma_start3A_24 : memref<80xi32, #tpu.memory_space<hbm>>) target(%arg12 : memref<80xi32, #tpu.memory_space<vmem>>) target_semaphore(%run_scoped3A : memref<!tpu.dma_semaphore, #tpu.memory_space<semaphore_mem>>)
        %dma_wait3A = tpu.memref_slice %arg6[%add3A_13] : memref<320000xi32, #tpu.memory_space<hbm>> -> memref<80xi32, #tpu.memory_space<hbm>>
        %dma_wait3A_25 = tpu.memref_slice %arg6[%add3A_13] : memref<320000xi32, #tpu.memory_space<hbm>> -> memref<80xi32, #tpu.memory_space<hbm>>
        tpu.wait_dma2 semaphore(%run_scoped3A : memref<!tpu.dma_semaphore, #tpu.memory_space<semaphore_mem>>) src(%dma_wait3A_25 : memref<80xi32, #tpu.memory_space<hbm>>) dst(%arg12 : memref<80xi32, #tpu.memory_space<vmem>>)
        tpu.yield
      }) : () -> ()
      %scan3A_14 = arith.constant 0 : i32
      %scan3A_15 = arith.constant 0 : i32
      %scan3A_16 = arith.constant 5 : i32
      %scan3A_17 = arith.addi %scan3A_15, %scan3A_16 : i32
      %scan3A_18 = arith.constant 1 : i32
      %scan3A_19 = scf.for %scan3A_24 = %scan3A_15 to %scan3A_17 step %scan3A_18 iter_args(%scan3A_25 = %scan3A_14) -> (i32)  : i32 {
        %mul3A_26 = arith.constant 16 : i32
        %mul3A_27 = arith.muli %scan3A_24, %mul3A_26 : i32
        %get3A = arith.index_cast %mul3A_27 : i32 to index
        %get3A_28 = tpu.vector_load %arg11[%get3A] {strides = array<i32>} : memref<80xi32, #tpu.memory_space<vmem>>, vector<16xi32>,
        %mul3A_29 = arith.constant 16 : i32
        %mul3A_30 = arith.muli %scan3A_24, %mul3A_29 : i32
        %get3A_31 = arith.index_cast %mul3A_30 : i32 to index
        %get3A_32 = tpu.vector_load %arg12[%get3A_31] {strides = array<i32>} : memref<80xi32, #tpu.memory_space<vmem>>, vector<16xi32>,
        %iota3A = tpu.iota {dimensions = array<i32: 0>} : vector<16xi32>
        %mul3A_33 = arith.constant 16 : i32
        %mul3A_34 = vector.broadcast %mul3A_33 : i32 to vector<16xi32>
        %mul3A_35 = arith.muli %iota3A, %mul3A_34 : vector<16xi32>
        %mul3A_36 = arith.constant 16 : i32
        %mul3A_37 = arith.muli %scan3A_24, %mul3A_36 : i32
        %mul3A_38 = arith.constant 16 : i32
        %mul3A_39 = arith.muli %mul3A_37, %mul3A_38 : i32
        %add3A_40 = vector.broadcast %mul3A_39 : i32 to vector<16xi32>
        %add3A_41 = arith.addi %mul3A_35, %add3A_40 : vector<16xi32>
        %gather3A = tpu.vector_load_idx %arg8[%get3A_32] : memref<10240xf32, #tpu.memory_space<vmem>>[vector<16xi32>], vector<16xf32>,
        %gather3A_42 = tpu.vector_load_idx %arg8[%get3A_28] : memref<10240xf32, #tpu.memory_space<vmem>>[vector<16xi32>], vector<16xf32>,
        %sub3A = arith.subf %gather3A, %gather3A_42 : vector<16xf32>
        %add3A_43 = arith.constant 0 : i32
        %add3A_44 = vector.broadcast %add3A_43 : i32 to vector<16xi32>
        %add3A_45 = arith.addi %add3A_41, %add3A_44 : vector<16xi32>
        tpu.vector_store_idx %arg13[%add3A_45], %sub3A : memref<1280xf32, #tpu.memory_space<vmem>>[vector<16xi32>], vector<16xf32>,
        %gather3A_46 = tpu.vector_load_idx %arg9[%get3A_32] : memref<10240xf32, #tpu.memory_space<vmem>>[vector<16xi32>], vector<16xf32>,
        %gather3A_47 = tpu.vector_load_idx %arg9[%get3A_28] : memref<10240xf32, #tpu.memory_space<vmem>>[vector<16xi32>], vector<16xf32>,
        %sub3A_48 = arith.subf %gather3A_46, %gather3A_47 : vector<16xf32>
        %add3A_49 = arith.constant 1 : i32
        %add3A_50 = vector.broadcast %add3A_49 : i32 to vector<16xi32>
        %add3A_51 = arith.addi %add3A_41, %add3A_50 : vector<16xi32>
        tpu.vector_store_idx %arg13[%add3A_51], %sub3A_48 : memref<1280xf32, #tpu.memory_space<vmem>>[vector<16xi32>], vector<16xf32>,
        %gather3A_52 = tpu.vector_load_idx %arg10[%get3A_32] : memref<10240xf32, #tpu.memory_space<vmem>>[vector<16xi32>], vector<16xf32>,
        %gather3A_53 = tpu.vector_load_idx %arg10[%get3A_28] : memref<10240xf32, #tpu.memory_space<vmem>>[vector<16xi32>], vector<16xf32>,
        %sub3A_54 = arith.subf %gather3A_52, %gather3A_53 : vector<16xf32>
        %add3A_55 = arith.constant 2 : i32
        %add3A_56 = vector.broadcast %add3A_55 : i32 to vector<16xi32>
        %add3A_57 = arith.addi %add3A_41, %add3A_56 : vector<16xi32>
        tpu.vector_store_idx %arg13[%add3A_57], %sub3A_54 : memref<1280xf32, #tpu.memory_space<vmem>>[vector<16xi32>], vector<16xf32>,
        %scan3A_58 = arith.constant 0 : i32
        scf.yield %scan3A_58 : i32
      }
      %scan3A_20 = arith.constant 5 : i32
      %mul3A_21 = arith.constant 16 : i32
      %mul3A_22 = arith.muli %add3A_13, %mul3A_21 : i32
      "tpu.region"() ({
        %run_scoped3A = tpu.sem_alloc : memref<!tpu.dma_semaphore, #tpu.memory_space<semaphore_mem>>
        %dma_start3A = tpu.memref_slice %arg7[%mul3A_22] : memref<5120000xf32, #tpu.memory_space<hbm>> -> memref<1280xf32, #tpu.memory_space<hbm>>
        %dma_start3A_24 = tpu.memref_slice %arg7[%mul3A_22] : memref<5120000xf32, #tpu.memory_space<hbm>> -> memref<1280xf32, #tpu.memory_space<hbm>>
        tpu.enqueue_dma source(%arg13 : memref<1280xf32, #tpu.memory_space<vmem>>) target(%dma_start3A_24 : memref<1280xf32, #tpu.memory_space<hbm>>) target_semaphore(%run_scoped3A : memref<!tpu.dma_semaphore, #tpu.memory_space<semaphore_mem>>)
        %dma_wait3A = tpu.memref_slice %arg7[%mul3A_22] : memref<5120000xf32, #tpu.memory_space<hbm>> -> memref<1280xf32, #tpu.memory_space<hbm>>
        %dma_wait3A_25 = tpu.memref_slice %arg7[%mul3A_22] : memref<5120000xf32, #tpu.memory_space<hbm>> -> memref<1280xf32, #tpu.memory_space<hbm>>
        tpu.wait_dma2 semaphore(%run_scoped3A : memref<!tpu.dma_semaphore, #tpu.memory_space<semaphore_mem>>) src(%arg13 : memref<1280xf32, #tpu.memory_space<vmem>>) dst(%dma_wait3A_25 : memref<1280xf32, #tpu.memory_space<hbm>>)
        tpu.yield
      }) : () -> ()
      %scan3A_23 = arith.constant 0 : i32
      scf.yield %scan3A_23 : i32
    }
    %scan3A_6 = arith.constant 125 : i32
    return
  }
}

#map = affine_map<(d0, d1) -> (0, 0)>
#map1 = affine_map<(d0, d1) -> (0)>
#map2 = affine_map<(d0, d1) -> (0, 0, 0)>
module attributes {stable_mosaic.version = 14 : i64} {
  func.func @_scatter_kernel(%arg0: i32, %arg1: i32, %arg2: memref<10000x128xf32, #tpu.memory_space<hbm>>, %arg3: memref<320000xi32, #tpu.memory_space<hbm>>, %arg4: memref<320000xi32, #tpu.memory_space<hbm>>, %arg5: memref<2x320000x128xf32, #tpu.memory_space<hbm>>, %arg6: memref<2x10000x128xf32, #tpu.memory_space<hbm>>, %arg7: memref<80xi32, #tpu.memory_space<vmem>>, %arg8: memref<80xi32, #tpu.memory_space<vmem>>, %arg9: memref<80x128xf32, #tpu.memory_space<vmem>>, %arg10: memref<80x128xf32, #tpu.memory_space<vmem>>, %arg11: memref<200x128xf32, #tpu.memory_space<vmem>>, %arg12: memref<!tpu.dma_semaphore, #tpu.memory_space<semaphore_mem>>, %arg13: memref<10000x128xf32, #tpu.memory_space<vmem_shared>>) attributes {dimension_semantics = [#tpu.dimension_semantics<core_parallel>, #tpu.dimension_semantics<subcore_parallel>], iteration_bounds = array<i64: 2, 16>, scalar_prefetch = 0 : i64, scratch_operands = 7 : i64, tpu.core_type = #tpu.core_type<sc_vector_subcore>, window_params = [{transform_indices = #map}, {transform_indices = #map1}, {transform_indices = #map1}, {transform_indices = #map2}, {transform_indices = #map2}]} {
    %scan3A = arith.constant 0 : i32
    %scan3A_0 = arith.constant 0 : i32
    %scan3A_1 = arith.constant 1600 : i32
    %scan3A_2 = arith.addi %scan3A_0, %scan3A_1 : i32
    %scan3A_3 = arith.constant 1 : i32
    %scan3A_4 = scf.for %scan3A_28 = %scan3A_0 to %scan3A_2 step %scan3A_3 iter_args(%scan3A_29 = %scan3A) -> (i32)  : i32 {
      %jit3A = arith.constant 8 : i32
      %div3A = arith.divsi %scan3A_28, %jit3A : i32
      %sign3A = arith.constant 0 : i32
      %sign3A_30 = arith.cmpi sgt, %scan3A_28, %sign3A : i32
      %sign3A_31 = arith.extui %sign3A_30 : i1 to i32
      %sign3A_32 = arith.constant 0 : i32
      %sign3A_33 = arith.cmpi slt, %scan3A_28, %sign3A_32 : i32
      %sign3A_34 = arith.extui %sign3A_33 : i1 to i32
      %sign3A_35 = arith.subi %sign3A_31, %sign3A_34 : i32
      %sign3A_36 = arith.constant 0 : i32
      %sign3A_37 = arith.cmpi sgt, %jit3A, %sign3A_36 : i32
      %sign3A_38 = arith.extui %sign3A_37 : i1 to i32
      %sign3A_39 = arith.constant 0 : i32
      %sign3A_40 = arith.cmpi slt, %jit3A, %sign3A_39 : i32
      %sign3A_41 = arith.extui %sign3A_40 : i1 to i32
      %sign3A_42 = arith.subi %sign3A_38, %sign3A_41 : i32
      %ne3A = arith.cmpi ne, %sign3A_35, %sign3A_42 : i32
      %rem3A = arith.remsi %scan3A_28, %jit3A : i32
      %ne3A_43 = arith.constant 0 : i32
      %ne3A_44 = arith.cmpi ne, %rem3A, %ne3A_43 : i32
      %and3A = arith.andi %ne3A, %ne3A_44 : i1
      %sub3A = arith.constant 1 : i32
      %sub3A_45 = arith.subi %div3A, %sub3A : i32
      %select_n3A = arith.select %and3A, %sub3A_45, %div3A : i32
      %jit3A_46 = arith.constant 8 : i32
      %eq3A = arith.constant 0 : i32
      %eq3A_47 = arith.cmpi eq, %jit3A_46, %eq3A : i32
      %jit3A_48 = arith.constant 1 : i32
      %select_n3A_49 = arith.select %eq3A_47, %jit3A_48, %jit3A_46 : i32
      %rem3A_50 = arith.remsi %scan3A_28, %select_n3A_49 : i32
      %ne3A_51 = arith.constant 0 : i32
      %ne3A_52 = arith.cmpi ne, %rem3A_50, %ne3A_51 : i32
      %lt3A = arith.constant 0 : i32
      %lt3A_53 = arith.cmpi slt, %rem3A_50, %lt3A : i32
      %lt3A_54 = arith.constant 0 : i32
      %lt3A_55 = arith.cmpi slt, %select_n3A_49, %lt3A_54 : i32
      %ne3A_56 = arith.xori %lt3A_53, %lt3A_55 : i1
      %and3A_57 = arith.andi %ne3A_56, %ne3A_52 : i1
      %add3A = arith.addi %rem3A_50, %select_n3A_49 : i32
      %select_n3A_58 = arith.select %and3A_57, %add3A, %rem3A_50 : i32
      %mul3A = arith.constant 16 : i32
      %mul3A_59 = arith.muli %select_n3A_58, %mul3A : i32
      %broadcast_in_dim3A = arith.constant 0.000000e+00 : f32
      %broadcast_in_dim3A_60 = vector.broadcast %broadcast_in_dim3A : f32 to vector<16xf32>
      %swap3A = arith.index_cast %select_n3A : i32 to index
      %swap3A_61 = arith.index_cast %mul3A_59 : i32 to index
      %swap3A_62 = tpu.vector_load %arg11[%swap3A, %swap3A_61] {strides = array<i32>} : memref<200x128xf32, #tpu.memory_space<vmem>>, vector<16xf32>,
      tpu.vector_store %arg11[%swap3A, %swap3A_61], %broadcast_in_dim3A_60 {strides = array<i32>} : memref<200x128xf32, #tpu.memory_space<vmem>>, vector<16xf32>,
      %scan3A_63 = arith.constant 0 : i32
      scf.yield %scan3A_63 : i32
    }
    %scan3A_5 = arith.constant 1600 : i32
    %scan3A_6 = arith.constant 0 : i32
    %scan3A_7 = arith.constant 0 : i32
    %scan3A_8 = arith.constant 4 : i32
    %scan3A_9 = arith.addi %scan3A_7, %scan3A_8 : i32
    %scan3A_10 = arith.constant 1 : i32
    %scan3A_11 = scf.for %scan3A_28 = %scan3A_7 to %scan3A_9 step %scan3A_10 iter_args(%scan3A_29 = %scan3A_6) -> (i32)  : i32 {
      %mul3A = arith.constant 16 : i32
      %mul3A_30 = arith.muli %scan3A_28, %mul3A : i32
      %add3A = arith.addi %mul3A_30, %arg1 : i32
      %lt3A = arith.constant 50 : i32
      %lt3A_31 = arith.cmpi slt, %add3A, %lt3A : i32
      %convert_element_type3A = arith.extui %lt3A_31 : i1 to i32
      %cond3A = arith.constant 0 : i32
      %cond3A_32 = arith.cmpi ne, %convert_element_type3A, %cond3A : i32
      scf.if %cond3A_32 {
        %mul3A_34 = arith.constant 200 : i32
        %mul3A_35 = arith.muli %add3A, %mul3A_34 : i32
        "tpu.region"() ({
          %run_scoped3A = tpu.sem_alloc : memref<!tpu.dma_semaphore, #tpu.memory_space<semaphore_mem>>
          %dma_start3A = arith.constant 0 : i32
          %dma_start3A_36 = tpu.memref_slice %arg13[%mul3A_35, %dma_start3A] : memref<10000x128xf32, #tpu.memory_space<vmem_shared>> -> memref<200x128xf32, #tpu.memory_space<vmem_shared>>
          %dma_start3A_37 = arith.constant 0 : i32
          %dma_start3A_38 = tpu.memref_slice %arg13[%mul3A_35, %dma_start3A_37] : memref<10000x128xf32, #tpu.memory_space<vmem_shared>> -> memref<200x128xf32, #tpu.memory_space<vmem_shared>>
          tpu.enqueue_dma source(%arg11 : memref<200x128xf32, #tpu.memory_space<vmem>>) target(%dma_start3A_38 : memref<200x128xf32, #tpu.memory_space<vmem_shared>>) target_semaphore(%run_scoped3A : memref<!tpu.dma_semaphore, #tpu.memory_space<semaphore_mem>>)
          %dma_wait3A = arith.constant 0 : i32
          %dma_wait3A_39 = tpu.memref_slice %arg13[%mul3A_35, %dma_wait3A] : memref<10000x128xf32, #tpu.memory_space<vmem_shared>> -> memref<200x128xf32, #tpu.memory_space<vmem_shared>>
          %dma_wait3A_40 = arith.constant 0 : i32
          %dma_wait3A_41 = tpu.memref_slice %arg13[%mul3A_35, %dma_wait3A_40] : memref<10000x128xf32, #tpu.memory_space<vmem_shared>> -> memref<200x128xf32, #tpu.memory_space<vmem_shared>>
          tpu.wait_dma2 semaphore(%run_scoped3A : memref<!tpu.dma_semaphore, #tpu.memory_space<semaphore_mem>>) src(%arg11 : memref<200x128xf32, #tpu.memory_space<vmem>>) dst(%dma_wait3A_41 : memref<200x128xf32, #tpu.memory_space<vmem_shared>>)
          tpu.yield
        }) : () -> ()
      } else {
      }
      %scan3A_33 = arith.constant 0 : i32
      scf.yield %scan3A_33 : i32
    }
    %scan3A_12 = arith.constant 4 : i32
    %barrier3A = arith.constant 0 : index
    tpu.barrier barrier_id(%barrier3A)
    %scan3A_13 = arith.constant 0 : i32
    %scan3A_14 = arith.constant 0 : i32
    %scan3A_15 = arith.constant 250 : i32
    %scan3A_16 = arith.addi %scan3A_14, %scan3A_15 : i32
    %scan3A_17 = arith.constant 1 : i32
    %scan3A_18 = scf.for %scan3A_28 = %scan3A_14 to %scan3A_16 step %scan3A_17 iter_args(%scan3A_29 = %scan3A_13) -> (i32)  : i32 {
      %mul3A = arith.constant 20000 : i32
      %mul3A_30 = arith.muli %arg1, %mul3A : i32
      %mul3A_31 = arith.constant 80 : i32
      %mul3A_32 = arith.muli %scan3A_28, %mul3A_31 : i32
      %add3A = arith.addi %mul3A_30, %mul3A_32 : i32
      "tpu.region"() ({
        %run_scoped3A = tpu.sem_alloc : memref<!tpu.dma_semaphore, #tpu.memory_space<semaphore_mem>>
        %dma_start3A_45 = tpu.memref_slice %arg3[%add3A] : memref<320000xi32, #tpu.memory_space<hbm>> -> memref<80xi32, #tpu.memory_space<hbm>>
        %dma_start3A_46 = tpu.memref_slice %arg3[%add3A] : memref<320000xi32, #tpu.memory_space<hbm>> -> memref<80xi32, #tpu.memory_space<hbm>>
        tpu.enqueue_dma source(%dma_start3A_46 : memref<80xi32, #tpu.memory_space<hbm>>) target(%arg7 : memref<80xi32, #tpu.memory_space<vmem>>) target_semaphore(%run_scoped3A : memref<!tpu.dma_semaphore, #tpu.memory_space<semaphore_mem>>)
        %dma_wait3A_47 = tpu.memref_slice %arg3[%add3A] : memref<320000xi32, #tpu.memory_space<hbm>> -> memref<80xi32, #tpu.memory_space<hbm>>
        %dma_wait3A_48 = tpu.memref_slice %arg3[%add3A] : memref<320000xi32, #tpu.memory_space<hbm>> -> memref<80xi32, #tpu.memory_space<hbm>>
        tpu.wait_dma2 semaphore(%run_scoped3A : memref<!tpu.dma_semaphore, #tpu.memory_space<semaphore_mem>>) src(%dma_wait3A_48 : memref<80xi32, #tpu.memory_space<hbm>>) dst(%arg7 : memref<80xi32, #tpu.memory_space<vmem>>)
        tpu.yield
      }) : () -> ()
      "tpu.region"() ({
        %run_scoped3A = tpu.sem_alloc : memref<!tpu.dma_semaphore, #tpu.memory_space<semaphore_mem>>
        %dma_start3A_45 = tpu.memref_slice %arg4[%add3A] : memref<320000xi32, #tpu.memory_space<hbm>> -> memref<80xi32, #tpu.memory_space<hbm>>
        %dma_start3A_46 = tpu.memref_slice %arg4[%add3A] : memref<320000xi32, #tpu.memory_space<hbm>> -> memref<80xi32, #tpu.memory_space<hbm>>
        tpu.enqueue_dma source(%dma_start3A_46 : memref<80xi32, #tpu.memory_space<hbm>>) target(%arg8 : memref<80xi32, #tpu.memory_space<vmem>>) target_semaphore(%run_scoped3A : memref<!tpu.dma_semaphore, #tpu.memory_space<semaphore_mem>>)
        %dma_wait3A_47 = tpu.memref_slice %arg4[%add3A] : memref<320000xi32, #tpu.memory_space<hbm>> -> memref<80xi32, #tpu.memory_space<hbm>>
        %dma_wait3A_48 = tpu.memref_slice %arg4[%add3A] : memref<320000xi32, #tpu.memory_space<hbm>> -> memref<80xi32, #tpu.memory_space<hbm>>
        tpu.wait_dma2 semaphore(%run_scoped3A : memref<!tpu.dma_semaphore, #tpu.memory_space<semaphore_mem>>) src(%dma_wait3A_48 : memref<80xi32, #tpu.memory_space<hbm>>) dst(%arg8 : memref<80xi32, #tpu.memory_space<vmem>>)
        tpu.yield
      }) : () -> ()
      %dma_start3A = arith.constant 0 : i32
      %dma_start3A_33 = arith.constant 0 : i32
      %dma_start3A_34 = tpu.memref_slice %arg2[%dma_start3A, %dma_start3A_33] : memref<10000x128xf32, #tpu.memory_space<hbm>> -> memref<10000x128xf32, #tpu.memory_space<hbm>>
      tpu.enqueue_indirect_dma source(%dma_start3A_34 : memref<10000x128xf32, #tpu.memory_space<hbm>>) target(%arg9 : memref<80x128xf32, #tpu.memory_space<vmem>>) offsets(%arg7 : memref<80xi32, #tpu.memory_space<vmem>>) semaphore(%arg12 : memref<!tpu.dma_semaphore, #tpu.memory_space<semaphore_mem>>)
      %dma_wait3A = arith.constant 0 : i32
      %dma_wait3A_35 = arith.constant 0 : i32
      %dma_wait3A_36 = tpu.memref_slice %arg2[%dma_wait3A, %dma_wait3A_35] : memref<10000x128xf32, #tpu.memory_space<hbm>> -> memref<10000x128xf32, #tpu.memory_space<hbm>>
      tpu.wait_indirect_dma semaphore(%arg12 : memref<!tpu.dma_semaphore, #tpu.memory_space<semaphore_mem>>) src(%dma_wait3A_36 : memref<10000x128xf32, #tpu.memory_space<hbm>>) dst(%arg9 : memref<80x128xf32, #tpu.memory_space<vmem>>)
      "tpu.region"() ({
        %run_scoped3A = tpu.sem_alloc : memref<!tpu.dma_semaphore, #tpu.memory_space<semaphore_mem>>
        %dma_start3A_45 = arith.constant 0 : i32
        %dma_start3A_46 = tpu.memref_slice %arg5[%arg0, %add3A, %dma_start3A_45] : memref<2x320000x128xf32, #tpu.memory_space<hbm>> -> memref<1x80x128xf32, #tpu.memory_space<hbm>>
        %dma_start3A_47 = tpu.memref_squeeze %dma_start3A_46 : memref<1x80x128xf32, #tpu.memory_space<hbm>> -> memref<80x128xf32, #tpu.memory_space<hbm>>
        %dma_start3A_48 = arith.constant 0 : i32
        %dma_start3A_49 = tpu.memref_slice %arg5[%arg0, %add3A, %dma_start3A_48] : memref<2x320000x128xf32, #tpu.memory_space<hbm>> -> memref<1x80x128xf32, #tpu.memory_space<hbm>>
        %dma_start3A_50 = tpu.memref_squeeze %dma_start3A_49 : memref<1x80x128xf32, #tpu.memory_space<hbm>> -> memref<80x128xf32, #tpu.memory_space<hbm>>
        tpu.enqueue_dma source(%dma_start3A_50 : memref<80x128xf32, #tpu.memory_space<hbm>>) target(%arg10 : memref<80x128xf32, #tpu.memory_space<vmem>>) target_semaphore(%run_scoped3A : memref<!tpu.dma_semaphore, #tpu.memory_space<semaphore_mem>>)
        %dma_wait3A_51 = arith.constant 0 : i32
        %dma_wait3A_52 = tpu.memref_slice %arg5[%arg0, %add3A, %dma_wait3A_51] : memref<2x320000x128xf32, #tpu.memory_space<hbm>> -> memref<1x80x128xf32, #tpu.memory_space<hbm>>
        %dma_wait3A_53 = tpu.memref_squeeze %dma_wait3A_52 : memref<1x80x128xf32, #tpu.memory_space<hbm>> -> memref<80x128xf32, #tpu.memory_space<hbm>>
        %dma_wait3A_54 = arith.constant 0 : i32
        %dma_wait3A_55 = tpu.memref_slice %arg5[%arg0, %add3A, %dma_wait3A_54] : memref<2x320000x128xf32, #tpu.memory_space<hbm>> -> memref<1x80x128xf32, #tpu.memory_space<hbm>>
        %dma_wait3A_56 = tpu.memref_squeeze %dma_wait3A_55 : memref<1x80x128xf32, #tpu.memory_space<hbm>> -> memref<80x128xf32, #tpu.memory_space<hbm>>
        tpu.wait_dma2 semaphore(%run_scoped3A : memref<!tpu.dma_semaphore, #tpu.memory_space<semaphore_mem>>) src(%dma_wait3A_56 : memref<80x128xf32, #tpu.memory_space<hbm>>) dst(%arg10 : memref<80x128xf32, #tpu.memory_space<vmem>>)
        tpu.yield
      }) : () -> ()
      %scan3A_37 = arith.constant 0 : i32
      %scan3A_38 = arith.constant 0 : i32
      %scan3A_39 = arith.constant 640 : i32
      %scan3A_40 = arith.addi %scan3A_38, %scan3A_39 : i32
      %scan3A_41 = arith.constant 1 : i32
      %scan3A_42 = scf.for %scan3A_45 = %scan3A_38 to %scan3A_40 step %scan3A_41 iter_args(%scan3A_46 = %scan3A_37) -> (i32)  : i32 {
        %jit3A = arith.constant 8 : i32
        %div3A = arith.divsi %scan3A_45, %jit3A : i32
        %sign3A = arith.constant 0 : i32
        %sign3A_47 = arith.cmpi sgt, %scan3A_45, %sign3A : i32
        %sign3A_48 = arith.extui %sign3A_47 : i1 to i32
        %sign3A_49 = arith.constant 0 : i32
        %sign3A_50 = arith.cmpi slt, %scan3A_45, %sign3A_49 : i32
        %sign3A_51 = arith.extui %sign3A_50 : i1 to i32
        %sign3A_52 = arith.subi %sign3A_48, %sign3A_51 : i32
        %sign3A_53 = arith.constant 0 : i32
        %sign3A_54 = arith.cmpi sgt, %jit3A, %sign3A_53 : i32
        %sign3A_55 = arith.extui %sign3A_54 : i1 to i32
        %sign3A_56 = arith.constant 0 : i32
        %sign3A_57 = arith.cmpi slt, %jit3A, %sign3A_56 : i32
        %sign3A_58 = arith.extui %sign3A_57 : i1 to i32
        %sign3A_59 = arith.subi %sign3A_55, %sign3A_58 : i32
        %ne3A = arith.cmpi ne, %sign3A_52, %sign3A_59 : i32
        %rem3A = arith.remsi %scan3A_45, %jit3A : i32
        %ne3A_60 = arith.constant 0 : i32
        %ne3A_61 = arith.cmpi ne, %rem3A, %ne3A_60 : i32
        %and3A = arith.andi %ne3A, %ne3A_61 : i1
        %sub3A = arith.constant 1 : i32
        %sub3A_62 = arith.subi %div3A, %sub3A : i32
        %select_n3A = arith.select %and3A, %sub3A_62, %div3A : i32
        %jit3A_63 = arith.constant 8 : i32
        %eq3A = arith.constant 0 : i32
        %eq3A_64 = arith.cmpi eq, %jit3A_63, %eq3A : i32
        %jit3A_65 = arith.constant 1 : i32
        %select_n3A_66 = arith.select %eq3A_64, %jit3A_65, %jit3A_63 : i32
        %rem3A_67 = arith.remsi %scan3A_45, %select_n3A_66 : i32
        %ne3A_68 = arith.constant 0 : i32
        %ne3A_69 = arith.cmpi ne, %rem3A_67, %ne3A_68 : i32
        %lt3A = arith.constant 0 : i32
        %lt3A_70 = arith.cmpi slt, %rem3A_67, %lt3A : i32
        %lt3A_71 = arith.constant 0 : i32
        %lt3A_72 = arith.cmpi slt, %select_n3A_66, %lt3A_71 : i32
        %ne3A_73 = arith.xori %lt3A_70, %lt3A_72 : i1
        %and3A_74 = arith.andi %ne3A_73, %ne3A_69 : i1
        %add3A_75 = arith.addi %rem3A_67, %select_n3A_66 : i32
        %select_n3A_76 = arith.select %and3A_74, %add3A_75, %rem3A_67 : i32
        %mul3A_77 = arith.constant 16 : i32
        %mul3A_78 = arith.muli %select_n3A_76, %mul3A_77 : i32
        %get3A = arith.index_cast %select_n3A : i32 to index
        %get3A_79 = arith.index_cast %mul3A_78 : i32 to index
        %get3A_80 = tpu.vector_load %arg9[%get3A, %get3A_79] {strides = array<i32>} : memref<80x128xf32, #tpu.memory_space<vmem>>, vector<16xf32>,
        %get3A_81 = arith.index_cast %select_n3A : i32 to index
        %get3A_82 = arith.index_cast %mul3A_78 : i32 to index
        %get3A_83 = tpu.vector_load %arg10[%get3A_81, %get3A_82] {strides = array<i32>} : memref<80x128xf32, #tpu.memory_space<vmem>>, vector<16xf32>,
        %mul3A_84 = arith.mulf %get3A_80, %get3A_83 : vector<16xf32>
        %swap3A = arith.index_cast %select_n3A : i32 to index
        %swap3A_85 = arith.index_cast %mul3A_78 : i32 to index
        %swap3A_86 = tpu.vector_load %arg9[%swap3A, %swap3A_85] {strides = array<i32>} : memref<80x128xf32, #tpu.memory_space<vmem>>, vector<16xf32>,
        tpu.vector_store %arg9[%swap3A, %swap3A_85], %mul3A_84 {strides = array<i32>} : memref<80x128xf32, #tpu.memory_space<vmem>>, vector<16xf32>,
        %scan3A_87 = arith.constant 0 : i32
        scf.yield %scan3A_87 : i32
      }
      %scan3A_43 = arith.constant 640 : i32
      "tpu.region"() ({
        %run_scoped3A = tpu.sem_alloc : memref<!tpu.dma_semaphore, #tpu.memory_space<semaphore_mem>>
        %dma_start3A_45 = arith.constant 0 : i32
        %dma_start3A_46 = arith.constant 0 : i32
        %dma_start3A_47 = tpu.memref_slice %arg13[%dma_start3A_45, %dma_start3A_46] : memref<10000x128xf32, #tpu.memory_space<vmem_shared>> -> memref<10000x128xf32, #tpu.memory_space<vmem_shared>>
        tpu.enqueue_indirect_dma source(%arg9 : memref<80x128xf32, #tpu.memory_space<vmem>>) target(%dma_start3A_47 : memref<10000x128xf32, #tpu.memory_space<vmem_shared>>) offsets(%arg8 : memref<80xi32, #tpu.memory_space<vmem>>) semaphore(%run_scoped3A : memref<!tpu.dma_semaphore, #tpu.memory_space<semaphore_mem>>) {add = true}
        %dma_wait3A_48 = arith.constant 0 : i32
        %dma_wait3A_49 = arith.constant 0 : i32
        %dma_wait3A_50 = tpu.memref_slice %arg13[%dma_wait3A_48, %dma_wait3A_49] : memref<10000x128xf32, #tpu.memory_space<vmem_shared>> -> memref<10000x128xf32, #tpu.memory_space<vmem_shared>>
        tpu.wait_indirect_dma semaphore(%run_scoped3A : memref<!tpu.dma_semaphore, #tpu.memory_space<semaphore_mem>>) src(%arg9 : memref<80x128xf32, #tpu.memory_space<vmem>>) dst(%dma_wait3A_50 : memref<10000x128xf32, #tpu.memory_space<vmem_shared>>)
        tpu.yield
      }) : () -> ()
      %scan3A_44 = arith.constant 0 : i32
      scf.yield %scan3A_44 : i32
    }
    %scan3A_19 = arith.constant 250 : i32
    %barrier3A_20 = arith.constant 0 : index
    tpu.barrier barrier_id(%barrier3A_20)
    %scan3A_21 = arith.constant 0 : i32
    %scan3A_22 = arith.constant 0 : i32
    %scan3A_23 = arith.constant 4 : i32
    %scan3A_24 = arith.addi %scan3A_22, %scan3A_23 : i32
    %scan3A_25 = arith.constant 1 : i32
    %scan3A_26 = scf.for %scan3A_28 = %scan3A_22 to %scan3A_24 step %scan3A_25 iter_args(%scan3A_29 = %scan3A_21) -> (i32)  : i32 {
      %mul3A = arith.constant 16 : i32
      %mul3A_30 = arith.muli %scan3A_28, %mul3A : i32
      %add3A = arith.addi %mul3A_30, %arg1 : i32
      %lt3A = arith.constant 50 : i32
      %lt3A_31 = arith.cmpi slt, %add3A, %lt3A : i32
      %convert_element_type3A = arith.extui %lt3A_31 : i1 to i32
      %cond3A = arith.constant 0 : i32
      %cond3A_32 = arith.cmpi ne, %convert_element_type3A, %cond3A : i32
      scf.if %cond3A_32 {
        %mul3A_34 = arith.constant 200 : i32
        %mul3A_35 = arith.muli %add3A, %mul3A_34 : i32
        "tpu.region"() ({
          %run_scoped3A = tpu.sem_alloc : memref<!tpu.dma_semaphore, #tpu.memory_space<semaphore_mem>>
          %dma_start3A = arith.constant 0 : i32
          %dma_start3A_36 = tpu.memref_slice %arg13[%mul3A_35, %dma_start3A] : memref<10000x128xf32, #tpu.memory_space<vmem_shared>> -> memref<200x128xf32, #tpu.memory_space<vmem_shared>>
          %dma_start3A_37 = arith.constant 0 : i32
          %dma_start3A_38 = tpu.memref_slice %arg13[%mul3A_35, %dma_start3A_37] : memref<10000x128xf32, #tpu.memory_space<vmem_shared>> -> memref<200x128xf32, #tpu.memory_space<vmem_shared>>
          tpu.enqueue_dma source(%dma_start3A_38 : memref<200x128xf32, #tpu.memory_space<vmem_shared>>) target(%arg11 : memref<200x128xf32, #tpu.memory_space<vmem>>) target_semaphore(%run_scoped3A : memref<!tpu.dma_semaphore, #tpu.memory_space<semaphore_mem>>)
          %dma_wait3A = arith.constant 0 : i32
          %dma_wait3A_39 = tpu.memref_slice %arg13[%mul3A_35, %dma_wait3A] : memref<10000x128xf32, #tpu.memory_space<vmem_shared>> -> memref<200x128xf32, #tpu.memory_space<vmem_shared>>
          %dma_wait3A_40 = arith.constant 0 : i32
          %dma_wait3A_41 = tpu.memref_slice %arg13[%mul3A_35, %dma_wait3A_40] : memref<10000x128xf32, #tpu.memory_space<vmem_shared>> -> memref<200x128xf32, #tpu.memory_space<vmem_shared>>
          tpu.wait_dma2 semaphore(%run_scoped3A : memref<!tpu.dma_semaphore, #tpu.memory_space<semaphore_mem>>) src(%dma_wait3A_41 : memref<200x128xf32, #tpu.memory_space<vmem_shared>>) dst(%arg11 : memref<200x128xf32, #tpu.memory_space<vmem>>)
          tpu.yield
        }) : () -> ()
        "tpu.region"() ({
          %run_scoped3A = tpu.sem_alloc : memref<!tpu.dma_semaphore, #tpu.memory_space<semaphore_mem>>
          %dma_start3A = arith.constant 0 : i32
          %dma_start3A_36 = tpu.memref_slice %arg6[%arg0, %mul3A_35, %dma_start3A] : memref<2x10000x128xf32, #tpu.memory_space<hbm>> -> memref<1x200x128xf32, #tpu.memory_space<hbm>>
          %dma_start3A_37 = tpu.memref_squeeze %dma_start3A_36 : memref<1x200x128xf32, #tpu.memory_space<hbm>> -> memref<200x128xf32, #tpu.memory_space<hbm>>
          %dma_start3A_38 = arith.constant 0 : i32
          %dma_start3A_39 = tpu.memref_slice %arg6[%arg0, %mul3A_35, %dma_start3A_38] : memref<2x10000x128xf32, #tpu.memory_space<hbm>> -> memref<1x200x128xf32, #tpu.memory_space<hbm>>
          %dma_start3A_40 = tpu.memref_squeeze %dma_start3A_39 : memref<1x200x128xf32, #tpu.memory_space<hbm>> -> memref<200x128xf32, #tpu.memory_space<hbm>>
          tpu.enqueue_dma source(%arg11 : memref<200x128xf32, #tpu.memory_space<vmem>>) target(%dma_start3A_40 : memref<200x128xf32, #tpu.memory_space<hbm>>) target_semaphore(%run_scoped3A : memref<!tpu.dma_semaphore, #tpu.memory_space<semaphore_mem>>)
          %dma_wait3A = arith.constant 0 : i32
          %dma_wait3A_41 = tpu.memref_slice %arg6[%arg0, %mul3A_35, %dma_wait3A] : memref<2x10000x128xf32, #tpu.memory_space<hbm>> -> memref<1x200x128xf32, #tpu.memory_space<hbm>>
          %dma_wait3A_42 = tpu.memref_squeeze %dma_wait3A_41 : memref<1x200x128xf32, #tpu.memory_space<hbm>> -> memref<200x128xf32, #tpu.memory_space<hbm>>
          %dma_wait3A_43 = arith.constant 0 : i32
          %dma_wait3A_44 = tpu.memref_slice %arg6[%arg0, %mul3A_35, %dma_wait3A_43] : memref<2x10000x128xf32, #tpu.memory_space<hbm>> -> memref<1x200x128xf32, #tpu.memory_space<hbm>>
          %dma_wait3A_45 = tpu.memref_squeeze %dma_wait3A_44 : memref<1x200x128xf32, #tpu.memory_space<hbm>> -> memref<200x128xf32, #tpu.memory_space<hbm>>
          tpu.wait_dma2 semaphore(%run_scoped3A : memref<!tpu.dma_semaphore, #tpu.memory_space<semaphore_mem>>) src(%arg11 : memref<200x128xf32, #tpu.memory_space<vmem>>) dst(%dma_wait3A_45 : memref<200x128xf32, #tpu.memory_space<hbm>>)
          tpu.yield
        }) : () -> ()
      } else {
      }
      %scan3A_33 = arith.constant 0 : i32
      scf.yield %scan3A_33 : i32
    }
    %scan3A_27 = arith.constant 4 : i32
    return
  }
}

module attributes {stable_mosaic.version = 14 : i64} {
  func.func @_mm_body(%arg0: i32, %arg1: memref<2000x128xf32, #tpu.memory_space<vmem>>, %arg2: memref<128x128xf32, #tpu.memory_space<vmem>>, %arg3: memref<2000x128xf32, #tpu.memory_space<vmem>>) attributes {dimension_semantics = [#tpu.dimension_semantics<arbitrary>], iteration_bounds = array<i64: 5>, scalar_prefetch = 0 : i64, scratch_operands = 0 : i64, tpu.core_type = #tpu.core_type<tc>, window_params = [{transform_indices = @transform_0, window_bounds = array<i64: 2000, 128>}, {pipeline_mode = #tpu.pipeline_mode<synchronous>, transform_indices = @transform_1, window_bounds = array<i64: 128, 128>}, {transform_indices = @transform_2, window_bounds = array<i64: 2000, 128>}]} {
    %get3A = arith.constant 0 : index
    %get3A_0 = arith.constant 0 : index
    %get3A_1 = vector.load %arg1[%get3A, %get3A_0] : memref<2000x128xf32, #tpu.memory_space<vmem>>, vector<2000x128xf32>
    %get3A_2 = arith.constant 0 : index
    %get3A_3 = arith.constant 0 : index
    %get3A_4 = vector.load %arg2[%get3A_2, %get3A_3] : memref<128x128xf32, #tpu.memory_space<vmem>>, vector<128x128xf32>
    %dot_general3A = arith.constant dense<0.000000e+00> : vector<2000x128xf32>
    %dot_general3A_5 = tpu.matmul %get3A_1, %get3A_4, %dot_general3A {dimension_numbers = #tpu.dot_dimension_numbers<[1], [0], [0], [1], [0, 0, 1, 1], [], []>, precision = #tpu.contract_precision<fp32>, transpose_lhs_hint = false} : vector<2000x128xf32>, vector<128x128xf32>, vector<2000x128xf32> -> vector<2000x128xf32>
    %swap3A = arith.constant 0 : index
    %swap3A_6 = arith.constant 0 : index
    %swap3A_7 = vector.load %arg3[%swap3A, %swap3A_6] : memref<2000x128xf32, #tpu.memory_space<vmem>>, vector<2000x128xf32>
    tpu.vector_store %arg3[%swap3A, %swap3A_6], %dot_general3A_5 {strides = array<i32>} : memref<2000x128xf32, #tpu.memory_space<vmem>>, vector<2000x128xf32>,
    return
  }
  func.func @transform_0(%arg0: i32) -> (i32, i32) {
    %c0_i32 = arith.constant 0 : i32
    %c0_i32_0 = arith.constant 0 : i32
    return %arg0, %c0_i32 : i32, i32
  }
  func.func @transform_1(%arg0: i32) -> (i32, i32) {
    %c0_i32 = arith.constant 0 : i32
    %c0_i32_0 = arith.constant 0 : i32
    %c0_i32_1 = arith.constant 0 : i32
    return %c0_i32, %c0_i32_0 : i32, i32
  }
  func.func @transform_2(%arg0: i32) -> (i32, i32) {
    %c0_i32 = arith.constant 0 : i32
    %c0_i32_0 = arith.constant 0 : i32
    return %arg0, %c0_i32 : i32, i32
  }
}

module attributes {stable_mosaic.version = 14 : i64} {
  func.func @_edge_mix_body(%arg0: i32, %arg1: memref<2000x16xf32, #tpu.memory_space<vmem>>, %arg2: memref<8x64xf32, #tpu.memory_space<vmem>>, %arg3: memref<64x256xf32, #tpu.memory_space<vmem>>, %arg4: memref<8x128xf32, #tpu.memory_space<vmem>>, %arg5: memref<2x2000x128xf32, #tpu.memory_space<vmem>>) attributes {dimension_semantics = [#tpu.dimension_semantics<arbitrary>], iteration_bounds = array<i64: 160>, scalar_prefetch = 0 : i64, scratch_operands = 0 : i64, tpu.core_type = #tpu.core_type<tc>, window_params = [{transform_indices = @transform_0, window_bounds = array<i64: 2000, 16>}, {pipeline_mode = #tpu.pipeline_mode<synchronous>, transform_indices = @transform_1, window_bounds = array<i64: 8, 64>}, {pipeline_mode = #tpu.pipeline_mode<synchronous>, transform_indices = @transform_2, window_bounds = array<i64: 64, 256>}, {pipeline_mode = #tpu.pipeline_mode<synchronous>, transform_indices = @transform_3, window_bounds = array<i64: 8, 128>}, {transform_indices = @transform_4, window_bounds = array<i64: 2, 2000, 128>}]} {
    %get3A = arith.constant 0 : index
    %get3A_0 = arith.constant 0 : index
    %get3A_1 = vector.load %arg1[%get3A, %get3A_0] : memref<2000x16xf32, #tpu.memory_space<vmem>>, vector<2000x16xf32>
    %slice3A = vector.extract_strided_slice %get3A_1 {offsets = [0, 0], sizes = [2000, 3], strides = [1, 1]} : vector<2000x16xf32> to vector<2000x3xf32>
    %mul3A = arith.mulf %slice3A, %slice3A : vector<2000x3xf32>
    %reduce_sum3A = arith.constant dense<0.000000e+00> : vector<2000xf32>
    %reduce_sum3A_2 = vector.multi_reduction <add>, %mul3A, %reduce_sum3A [1] : vector<2000x3xf32> to vector<2000xf32>
    %broadcast_in_dim3A = vector.shape_cast %reduce_sum3A_2 : vector<2000xf32> to vector<2000x1xf32>
    %add3A = arith.constant 9.99999971E-10 : f32
    %add3A_3 = vector.broadcast %add3A : f32 to vector<2000x1xf32>
    %add3A_4 = arith.addf %broadcast_in_dim3A, %add3A_3 : vector<2000x1xf32>
    %sqrt3A = math.sqrt %add3A_4 : vector<2000x1xf32>
    %div3A = arith.constant 6.000000e+00 : f32
    %div3A_5 = vector.broadcast %div3A : f32 to vector<2000x1xf32>
    %div3A_6 = arith.divf %sqrt3A, %div3A_5 : vector<2000x1xf32>
    %gt3A = arith.constant 9.99999997E-7 : f32
    %gt3A_7 = vector.broadcast %gt3A : f32 to vector<2000x1xf32>
    %gt3A_8 = arith.cmpf ogt, %div3A_6, %gt3A_7 : vector<2000x1xf32>
    %jit3A = arith.constant 9.99999997E-7 : f32
    %broadcast_in_dim3A_9 = vector.broadcast %jit3A : f32 to vector<2000x1xf32>
    %select_n3A = arith.select %gt3A_8, %div3A_6, %broadcast_in_dim3A_9 : vector<2000x1xi1>, vector<2000x1xf32>
    %iota3A = tpu.iota {dimensions = array<i32: 1>} : vector<1x8xi32>
    %add3A_10 = arith.constant 1 : i32
    %add3A_11 = vector.broadcast %add3A_10 : i32 to vector<1x8xi32>
    %add3A_12 = arith.addi %iota3A, %add3A_11 : vector<1x8xi32>
    %convert_element_type3A = arith.sitofp %add3A_12 : vector<1x8xi32> to vector<1x8xf32>
    %sqrt3A_13 = arith.constant 2.000000e+00 : f32
    %sqrt3A_14 = math.sqrt %sqrt3A_13 : f32
    %mul3A_15 = arith.constant 3.14159274 : f32
    %mul3A_16 = vector.broadcast %mul3A_15 : f32 to vector<1x8xf32>
    %mul3A_17 = arith.mulf %mul3A_16, %convert_element_type3A : vector<1x8xf32>
    %mul3A_18 = vector.broadcast %mul3A_17 : vector<1x8xf32> to vector<2000x8xf32>
    %mul3A_19 = vector.broadcast %div3A_6 : vector<2000x1xf32> to vector<2000x8xf32>
    %mul3A_20 = arith.mulf %mul3A_18, %mul3A_19 : vector<2000x8xf32>
    %sin3A = math.sin %mul3A_20 : vector<2000x8xf32>
    %mul3A_21 = vector.broadcast %sqrt3A_14 : f32 to vector<2000x8xf32>
    %mul3A_22 = arith.mulf %mul3A_21, %sin3A : vector<2000x8xf32>
    %div3A_23 = vector.broadcast %select_n3A : vector<2000x1xf32> to vector<2000x8xf32>
    %div3A_24 = arith.divf %mul3A_22, %div3A_23 : vector<2000x8xf32>
    %jit3A_25 = arith.constant 0.000000e+00 : f32
    %jit3A_26 = arith.constant 9.990000e-01 : f32
    %max3A = vector.broadcast %jit3A_25 : f32 to vector<2000x1xf32>
    %max3A_27 = arith.maximumf %max3A, %div3A_6 : vector<2000x1xf32>
    %min3A = vector.broadcast %jit3A_26 : f32 to vector<2000x1xf32>
    %min3A_28 = arith.minimumf %min3A, %max3A_27 : vector<2000x1xf32>
    %mul3A_29 = arith.mulf %min3A_28, %min3A_28 : vector<2000x1xf32>
    %mul3A_30 = arith.constant -2.000000e+00 : f32
    %mul3A_31 = vector.broadcast %mul3A_30 : f32 to vector<2000x1xf32>
    %mul3A_32 = arith.mulf %mul3A_31, %mul3A_29 : vector<2000x1xf32>
    %sub3A = arith.constant 1.000000e+00 : f32
    %sub3A_33 = vector.broadcast %sub3A : f32 to vector<2000x1xf32>
    %sub3A_34 = arith.subf %sub3A_33, %mul3A_29 : vector<2000x1xf32>
    %div3A_35 = arith.divf %mul3A_32, %sub3A_34 : vector<2000x1xf32>
    %exp3A = math.exp %div3A_35 : vector<2000x1xf32>
    %mul3A_36 = arith.constant 1.200000e+00 : f32
    %mul3A_37 = vector.broadcast %mul3A_36 : f32 to vector<2000x1xf32>
    %mul3A_38 = arith.mulf %mul3A_37, %exp3A : vector<2000x1xf32>
    %lt3A = arith.constant 1.000000e+00 : f32
    %lt3A_39 = vector.broadcast %lt3A : f32 to vector<2000x1xf32>
    %lt3A_40 = arith.cmpf olt, %div3A_6, %lt3A_39 : vector<2000x1xf32>
    %convert_element_type3A_41 = arith.extui %lt3A_40 : vector<2000x1xi1> to vector<2000x1xi32>
    %convert_element_type3A_42 = arith.sitofp %convert_element_type3A_41 : vector<2000x1xi32> to vector<2000x1xf32>
    %mul3A_43 = arith.mulf %mul3A_38, %convert_element_type3A_42 : vector<2000x1xf32>
    %mul3A_44 = vector.broadcast %mul3A_43 : vector<2000x1xf32> to vector<2000x8xf32>
    %mul3A_45 = arith.mulf %div3A_24, %mul3A_44 : vector<2000x8xf32>
    %div3A_46 = vector.broadcast %sqrt3A : vector<2000x1xf32> to vector<2000x3xf32>
    %div3A_47 = arith.divf %slice3A, %div3A_46 : vector<2000x3xf32>
    %slice3A_48 = vector.extract_strided_slice %div3A_47 {offsets = [0, 0], sizes = [2000, 1], strides = [1, 1]} : vector<2000x3xf32> to vector<2000x1xf32>
    %slice3A_49 = vector.extract_strided_slice %div3A_47 {offsets = [0, 1], sizes = [2000, 1], strides = [1, 1]} : vector<2000x3xf32> to vector<2000x1xf32>
    %slice3A_50 = vector.extract_strided_slice %div3A_47 {offsets = [0, 2], sizes = [2000, 1], strides = [1, 1]} : vector<2000x3xf32> to vector<2000x1xf32>
    %sqrt3A_51 = arith.constant 3.000000e+00 : f32
    %sqrt3A_52 = math.sqrt %sqrt3A_51 : f32
    %sqrt3A_53 = arith.constant 1.500000e+01 : f32
    %sqrt3A_54 = math.sqrt %sqrt3A_53 : f32
    %sqrt3A_55 = arith.constant 5.000000e+00 : f32
    %sqrt3A_56 = math.sqrt %sqrt3A_55 : f32
    %div3A_57 = arith.constant 2.000000e+00 : f32
    %div3A_58 = arith.divf %sqrt3A_56, %div3A_57 : f32
    %mul3A_59 = vector.broadcast %sqrt3A_52 : f32 to vector<2000x1xf32>
    %mul3A_60 = arith.mulf %mul3A_59, %slice3A_48 : vector<2000x1xf32>
    %mul3A_61 = vector.broadcast %sqrt3A_52 : f32 to vector<2000x1xf32>
    %mul3A_62 = arith.mulf %mul3A_61, %slice3A_49 : vector<2000x1xf32>
    %mul3A_63 = vector.broadcast %sqrt3A_52 : f32 to vector<2000x1xf32>
    %mul3A_64 = arith.mulf %mul3A_63, %slice3A_50 : vector<2000x1xf32>
    %mul3A_65 = vector.broadcast %sqrt3A_54 : f32 to vector<2000x1xf32>
    %mul3A_66 = arith.mulf %mul3A_65, %slice3A_48 : vector<2000x1xf32>
    %mul3A_67 = arith.mulf %mul3A_66, %slice3A_49 : vector<2000x1xf32>
    %mul3A_68 = vector.broadcast %sqrt3A_54 : f32 to vector<2000x1xf32>
    %mul3A_69 = arith.mulf %mul3A_68, %slice3A_49 : vector<2000x1xf32>
    %mul3A_70 = arith.mulf %mul3A_69, %slice3A_50 : vector<2000x1xf32>
    %mul3A_71 = arith.constant 3.000000e+00 : f32
    %mul3A_72 = vector.broadcast %mul3A_71 : f32 to vector<2000x1xf32>
    %mul3A_73 = arith.mulf %mul3A_72, %slice3A_50 : vector<2000x1xf32>
    %mul3A_74 = arith.mulf %mul3A_73, %slice3A_50 : vector<2000x1xf32>
    %sub3A_75 = arith.constant 1.000000e+00 : f32
    %sub3A_76 = vector.broadcast %sub3A_75 : f32 to vector<2000x1xf32>
    %sub3A_77 = arith.subf %mul3A_74, %sub3A_76 : vector<2000x1xf32>
    %mul3A_78 = vector.broadcast %div3A_58 : f32 to vector<2000x1xf32>
    %mul3A_79 = arith.mulf %mul3A_78, %sub3A_77 : vector<2000x1xf32>
    %mul3A_80 = vector.broadcast %sqrt3A_54 : f32 to vector<2000x1xf32>
    %mul3A_81 = arith.mulf %mul3A_80, %slice3A_48 : vector<2000x1xf32>
    %mul3A_82 = arith.mulf %mul3A_81, %slice3A_50 : vector<2000x1xf32>
    %div3A_83 = arith.constant 2.000000e+00 : f32
    %div3A_84 = arith.divf %sqrt3A_54, %div3A_83 : f32
    %mul3A_85 = arith.mulf %slice3A_48, %slice3A_48 : vector<2000x1xf32>
    %mul3A_86 = arith.mulf %slice3A_49, %slice3A_49 : vector<2000x1xf32>
    %sub3A_87 = arith.subf %mul3A_85, %mul3A_86 : vector<2000x1xf32>
    %mul3A_88 = vector.broadcast %div3A_84 : f32 to vector<2000x1xf32>
    %mul3A_89 = arith.mulf %mul3A_88, %sub3A_87 : vector<2000x1xf32>
    %mul3A_90 = arith.constant 3.000000e+00 : f32
    %mul3A_91 = vector.broadcast %mul3A_90 : f32 to vector<2000x1xf32>
    %mul3A_92 = arith.mulf %mul3A_91, %slice3A_48 : vector<2000x1xf32>
    %mul3A_93 = arith.mulf %mul3A_92, %slice3A_48 : vector<2000x1xf32>
    %mul3A_94 = arith.mulf %slice3A_49, %slice3A_49 : vector<2000x1xf32>
    %sub3A_95 = arith.subf %mul3A_93, %mul3A_94 : vector<2000x1xf32>
    %mul3A_96 = arith.mulf %slice3A_49, %sub3A_95 : vector<2000x1xf32>
    %mul3A_97 = arith.mulf %slice3A_48, %slice3A_49 : vector<2000x1xf32>
    %mul3A_98 = arith.mulf %mul3A_97, %slice3A_50 : vector<2000x1xf32>
    %mul3A_99 = arith.constant 4.000000e+00 : f32
    %mul3A_100 = vector.broadcast %mul3A_99 : f32 to vector<2000x1xf32>
    %mul3A_101 = arith.mulf %mul3A_100, %slice3A_50 : vector<2000x1xf32>
    %mul3A_102 = arith.mulf %mul3A_101, %slice3A_50 : vector<2000x1xf32>
    %mul3A_103 = arith.mulf %slice3A_48, %slice3A_48 : vector<2000x1xf32>
    %sub3A_104 = arith.subf %mul3A_102, %mul3A_103 : vector<2000x1xf32>
    %mul3A_105 = arith.mulf %slice3A_49, %slice3A_49 : vector<2000x1xf32>
    %sub3A_106 = arith.subf %sub3A_104, %mul3A_105 : vector<2000x1xf32>
    %mul3A_107 = arith.mulf %slice3A_49, %sub3A_106 : vector<2000x1xf32>
    %mul3A_108 = arith.constant 2.000000e+00 : f32
    %mul3A_109 = vector.broadcast %mul3A_108 : f32 to vector<2000x1xf32>
    %mul3A_110 = arith.mulf %mul3A_109, %slice3A_50 : vector<2000x1xf32>
    %mul3A_111 = arith.mulf %mul3A_110, %slice3A_50 : vector<2000x1xf32>
    %mul3A_112 = arith.constant 3.000000e+00 : f32
    %mul3A_113 = vector.broadcast %mul3A_112 : f32 to vector<2000x1xf32>
    %mul3A_114 = arith.mulf %mul3A_113, %slice3A_48 : vector<2000x1xf32>
    %mul3A_115 = arith.mulf %mul3A_114, %slice3A_48 : vector<2000x1xf32>
    %sub3A_116 = arith.subf %mul3A_111, %mul3A_115 : vector<2000x1xf32>
    %mul3A_117 = arith.constant 3.000000e+00 : f32
    %mul3A_118 = vector.broadcast %mul3A_117 : f32 to vector<2000x1xf32>
    %mul3A_119 = arith.mulf %mul3A_118, %slice3A_49 : vector<2000x1xf32>
    %mul3A_120 = arith.mulf %mul3A_119, %slice3A_49 : vector<2000x1xf32>
    %sub3A_121 = arith.subf %sub3A_116, %mul3A_120 : vector<2000x1xf32>
    %mul3A_122 = arith.mulf %slice3A_50, %sub3A_121 : vector<2000x1xf32>
    %mul3A_123 = arith.constant 4.000000e+00 : f32
    %mul3A_124 = vector.broadcast %mul3A_123 : f32 to vector<2000x1xf32>
    %mul3A_125 = arith.mulf %mul3A_124, %slice3A_50 : vector<2000x1xf32>
    %mul3A_126 = arith.mulf %mul3A_125, %slice3A_50 : vector<2000x1xf32>
    %mul3A_127 = arith.mulf %slice3A_48, %slice3A_48 : vector<2000x1xf32>
    %sub3A_128 = arith.subf %mul3A_126, %mul3A_127 : vector<2000x1xf32>
    %mul3A_129 = arith.mulf %slice3A_49, %slice3A_49 : vector<2000x1xf32>
    %sub3A_130 = arith.subf %sub3A_128, %mul3A_129 : vector<2000x1xf32>
    %mul3A_131 = arith.mulf %slice3A_48, %sub3A_130 : vector<2000x1xf32>
    %mul3A_132 = arith.mulf %slice3A_48, %slice3A_48 : vector<2000x1xf32>
    %mul3A_133 = arith.mulf %slice3A_49, %slice3A_49 : vector<2000x1xf32>
    %sub3A_134 = arith.subf %mul3A_132, %mul3A_133 : vector<2000x1xf32>
    %mul3A_135 = arith.mulf %slice3A_50, %sub3A_134 : vector<2000x1xf32>
    %mul3A_136 = arith.mulf %slice3A_48, %slice3A_48 : vector<2000x1xf32>
    %mul3A_137 = arith.constant 3.000000e+00 : f32
    %mul3A_138 = vector.broadcast %mul3A_137 : f32 to vector<2000x1xf32>
    %mul3A_139 = arith.mulf %mul3A_138, %slice3A_49 : vector<2000x1xf32>
    %mul3A_140 = arith.mulf %mul3A_139, %slice3A_49 : vector<2000x1xf32>
    %sub3A_141 = arith.subf %mul3A_136, %mul3A_140 : vector<2000x1xf32>
    %mul3A_142 = arith.mulf %slice3A_48, %sub3A_141 : vector<2000x1xf32>
    %concatenate3A = tpu.concatenate %mul3A_60, %mul3A_62, %mul3A_64, %mul3A_67, %mul3A_70, %mul3A_79, %mul3A_82, %mul3A_89, %mul3A_96, %mul3A_98, %mul3A_107, %mul3A_122, %mul3A_131, %mul3A_135, %mul3A_142 in 1 : vector<2000x1xf32>, vector<2000x1xf32>, vector<2000x1xf32>, vector<2000x1xf32>, vector<2000x1xf32>, vector<2000x1xf32>, vector<2000x1xf32>, vector<2000x1xf32>, vector<2000x1xf32>, vector<2000x1xf32>, vector<2000x1xf32>, vector<2000x1xf32>, vector<2000x1xf32>, vector<2000x1xf32>, vector<2000x1xf32> -> vector<2000x15xf32>
    %get3A_143 = arith.constant 0 : index
    %get3A_144 = arith.constant 0 : index
    %get3A_145 = vector.load %arg4[%get3A_143, %get3A_144] : memref<8x128xf32, #tpu.memory_space<vmem>>, vector<1x15xf32>
    %mul3A_146 = vector.broadcast %get3A_145 : vector<1x15xf32> to vector<2000x15xf32>
    %mul3A_147 = arith.mulf %concatenate3A, %mul3A_146 : vector<2000x15xf32>
    %reduce_sum3A_148 = arith.constant dense<0.000000e+00> : vector<2000xf32>
    %reduce_sum3A_149 = vector.multi_reduction <add>, %mul3A_147, %reduce_sum3A_148 [1] : vector<2000x15xf32> to vector<2000xf32>
    %broadcast_in_dim3A_150 = vector.shape_cast %reduce_sum3A_149 : vector<2000xf32> to vector<2000x1xf32>
    %get3A_151 = arith.constant 0 : index
    %get3A_152 = arith.constant 0 : index
    %get3A_153 = vector.load %arg2[%get3A_151, %get3A_152] : memref<8x64xf32, #tpu.memory_space<vmem>>, vector<8x64xf32>
    %dot_general3A = arith.constant dense<0.000000e+00> : vector<2000x64xf32>
    %dot_general3A_154 = tpu.matmul %mul3A_45, %get3A_153, %dot_general3A {dimension_numbers = #tpu.dot_dimension_numbers<[1], [0], [0], [1], [0, 0, 1, 1], [], []>, precision = #tpu.contract_precision<fp32>, transpose_lhs_hint = false} : vector<2000x8xf32>, vector<8x64xf32>, vector<2000x64xf32> -> vector<2000x64xf32>
    %integer_pow3A = arith.mulf %dot_general3A_154, %dot_general3A_154 : vector<2000x64xf32>
    %integer_pow3A_155 = arith.mulf %dot_general3A_154, %integer_pow3A : vector<2000x64xf32>
    %mul3A_156 = arith.constant 4.471500e-02 : f32
    %mul3A_157 = vector.broadcast %mul3A_156 : f32 to vector<2000x64xf32>
    %mul3A_158 = arith.mulf %mul3A_157, %integer_pow3A_155 : vector<2000x64xf32>
    %add3A_159 = arith.addf %dot_general3A_154, %mul3A_158 : vector<2000x64xf32>
    %mul3A_160 = arith.constant 0.797884583 : f32
    %mul3A_161 = vector.broadcast %mul3A_160 : f32 to vector<2000x64xf32>
    %mul3A_162 = arith.mulf %mul3A_161, %add3A_159 : vector<2000x64xf32>
    %tanh3A = math.tanh %mul3A_162 : vector<2000x64xf32>
    %add3A_163 = arith.constant 1.000000e+00 : f32
    %add3A_164 = vector.broadcast %add3A_163 : f32 to vector<2000x64xf32>
    %add3A_165 = arith.addf %add3A_164, %tanh3A : vector<2000x64xf32>
    %mul3A_166 = arith.constant 5.000000e-01 : f32
    %mul3A_167 = vector.broadcast %mul3A_166 : f32 to vector<2000x64xf32>
    %mul3A_168 = arith.mulf %mul3A_167, %add3A_165 : vector<2000x64xf32>
    %mul3A_169 = arith.mulf %dot_general3A_154, %mul3A_168 : vector<2000x64xf32>
    %get3A_170 = arith.constant 0 : index
    %get3A_171 = arith.constant 0 : index
    %get3A_172 = vector.load %arg3[%get3A_170, %get3A_171] : memref<64x256xf32, #tpu.memory_space<vmem>>, vector<64x256xf32>
    %dot_general3A_173 = arith.constant dense<0.000000e+00> : vector<2000x256xf32>
    %dot_general3A_174 = tpu.matmul %mul3A_169, %get3A_172, %dot_general3A_173 {dimension_numbers = #tpu.dot_dimension_numbers<[1], [0], [0], [1], [0, 0, 1, 1], [], []>, precision = #tpu.contract_precision<fp32>, transpose_lhs_hint = false} : vector<2000x64xf32>, vector<64x256xf32>, vector<2000x256xf32> -> vector<2000x256xf32>
    %slice3A_175 = vector.extract_strided_slice %dot_general3A_174 {offsets = [0, 0], sizes = [2000, 128], strides = [1, 1]} : vector<2000x256xf32> to vector<2000x128xf32>
    %swap3A = arith.constant 0 : index
    %swap3A_176 = arith.constant 0 : index
    %swap3A_177 = arith.constant 0 : index
    %swap3A_178 = vector.load %arg5[%swap3A, %swap3A_176, %swap3A_177] : memref<2x2000x128xf32, #tpu.memory_space<vmem>>, vector<1x2000x128xf32>
    %swap3A_179 = vector.shape_cast %swap3A_178 : vector<1x2000x128xf32> to vector<2000x128xf32>
    %swap3A_180 = vector.shape_cast %slice3A_175 : vector<2000x128xf32> to vector<1x2000x128xf32>
    tpu.vector_store %arg5[%swap3A, %swap3A_176, %swap3A_177], %swap3A_180 {strides = array<i32>} : memref<2x2000x128xf32, #tpu.memory_space<vmem>>, vector<1x2000x128xf32>,
    %slice3A_181 = vector.extract_strided_slice %dot_general3A_174 {offsets = [0, 128], sizes = [2000, 128], strides = [1, 1]} : vector<2000x256xf32> to vector<2000x128xf32>
    %mul3A_182 = vector.broadcast %broadcast_in_dim3A_150 : vector<2000x1xf32> to vector<2000x128xf32>
    %mul3A_183 = arith.mulf %slice3A_181, %mul3A_182 : vector<2000x128xf32>
    %swap3A_184 = arith.constant 1 : index
    %swap3A_185 = arith.constant 0 : index
    %swap3A_186 = arith.constant 0 : index
    %swap3A_187 = vector.load %arg5[%swap3A_184, %swap3A_185, %swap3A_186] : memref<2x2000x128xf32, #tpu.memory_space<vmem>>, vector<1x2000x128xf32>
    %swap3A_188 = vector.shape_cast %swap3A_187 : vector<1x2000x128xf32> to vector<2000x128xf32>
    %swap3A_189 = vector.shape_cast %mul3A_183 : vector<2000x128xf32> to vector<1x2000x128xf32>
    tpu.vector_store %arg5[%swap3A_184, %swap3A_185, %swap3A_186], %swap3A_189 {strides = array<i32>} : memref<2x2000x128xf32, #tpu.memory_space<vmem>>, vector<1x2000x128xf32>,
    return
  }
  func.func @transform_0(%arg0: i32) -> (i32, i32) {
    %c0_i32 = arith.constant 0 : i32
    %c0_i32_0 = arith.constant 0 : i32
    return %arg0, %c0_i32 : i32, i32
  }
  func.func @transform_1(%arg0: i32) -> (i32, i32) {
    %c0_i32 = arith.constant 0 : i32
    %c0_i32_0 = arith.constant 0 : i32
    %c0_i32_1 = arith.constant 0 : i32
    return %c0_i32, %c0_i32_0 : i32, i32
  }
  func.func @transform_2(%arg0: i32) -> (i32, i32) {
    %c0_i32 = arith.constant 0 : i32
    %c0_i32_0 = arith.constant 0 : i32
    %c0_i32_1 = arith.constant 0 : i32
    return %c0_i32, %c0_i32_0 : i32, i32
  }
  func.func @transform_3(%arg0: i32) -> (i32, i32) {
    %c0_i32 = arith.constant 0 : i32
    %c0_i32_0 = arith.constant 0 : i32
    %c0_i32_1 = arith.constant 0 : i32
    return %c0_i32, %c0_i32_0 : i32, i32
  }
  func.func @transform_4(%arg0: i32) -> (i32, i32, i32) {
    %c0_i32 = arith.constant 0 : i32
    %c0_i32_0 = arith.constant 0 : i32
    %c0_i32_1 = arith.constant 0 : i32
    return %c0_i32, %arg0, %c0_i32_0 : i32, i32, i32
  }
}

module attributes {stable_mosaic.version = 14 : i64} {
  func.func @_down_body(%arg0: i32, %arg1: memref<2x2000x128xf32, #tpu.memory_space<vmem>>, %arg2: memref<2x128x128xf32, #tpu.memory_space<vmem>>, %arg3: memref<2000x128xf32, #tpu.memory_space<vmem>>) attributes {dimension_semantics = [#tpu.dimension_semantics<arbitrary>], iteration_bounds = array<i64: 5>, scalar_prefetch = 0 : i64, scratch_operands = 0 : i64, tpu.core_type = #tpu.core_type<tc>, window_params = [{transform_indices = @transform_0, window_bounds = array<i64: 2, 2000, 128>}, {pipeline_mode = #tpu.pipeline_mode<synchronous>, transform_indices = @transform_1, window_bounds = array<i64: 2, 128, 128>}, {transform_indices = @transform_2, window_bounds = array<i64: 2000, 128>}]} {
    %get3A = arith.constant 0 : index
    %get3A_0 = arith.constant 0 : index
    %get3A_1 = arith.constant 0 : index
    %get3A_2 = vector.load %arg1[%get3A, %get3A_0, %get3A_1] : memref<2x2000x128xf32, #tpu.memory_space<vmem>>, vector<1x2000x128xf32>
    %get3A_3 = vector.shape_cast %get3A_2 : vector<1x2000x128xf32> to vector<2000x128xf32>
    %get3A_4 = arith.constant 0 : index
    %get3A_5 = arith.constant 0 : index
    %get3A_6 = arith.constant 0 : index
    %get3A_7 = vector.load %arg2[%get3A_4, %get3A_5, %get3A_6] : memref<2x128x128xf32, #tpu.memory_space<vmem>>, vector<1x128x128xf32>
    %get3A_8 = vector.shape_cast %get3A_7 : vector<1x128x128xf32> to vector<128x128xf32>
    %dot_general3A = arith.constant dense<0.000000e+00> : vector<2000x128xf32>
    %dot_general3A_9 = tpu.matmul %get3A_3, %get3A_8, %dot_general3A {dimension_numbers = #tpu.dot_dimension_numbers<[1], [0], [0], [1], [0, 0, 1, 1], [], []>, precision = #tpu.contract_precision<fp32>, transpose_lhs_hint = false} : vector<2000x128xf32>, vector<128x128xf32>, vector<2000x128xf32> -> vector<2000x128xf32>
    %get3A_10 = arith.constant 1 : index
    %get3A_11 = arith.constant 0 : index
    %get3A_12 = arith.constant 0 : index
    %get3A_13 = vector.load %arg1[%get3A_10, %get3A_11, %get3A_12] : memref<2x2000x128xf32, #tpu.memory_space<vmem>>, vector<1x2000x128xf32>
    %get3A_14 = vector.shape_cast %get3A_13 : vector<1x2000x128xf32> to vector<2000x128xf32>
    %get3A_15 = arith.constant 1 : index
    %get3A_16 = arith.constant 0 : index
    %get3A_17 = arith.constant 0 : index
    %get3A_18 = vector.load %arg2[%get3A_15, %get3A_16, %get3A_17] : memref<2x128x128xf32, #tpu.memory_space<vmem>>, vector<1x128x128xf32>
    %get3A_19 = vector.shape_cast %get3A_18 : vector<1x128x128xf32> to vector<128x128xf32>
    %dot_general3A_20 = arith.constant dense<0.000000e+00> : vector<2000x128xf32>
    %dot_general3A_21 = tpu.matmul %get3A_14, %get3A_19, %dot_general3A_20 {dimension_numbers = #tpu.dot_dimension_numbers<[1], [0], [0], [1], [0, 0, 1, 1], [], []>, precision = #tpu.contract_precision<fp32>, transpose_lhs_hint = false} : vector<2000x128xf32>, vector<128x128xf32>, vector<2000x128xf32> -> vector<2000x128xf32>
    %add3A = arith.addf %dot_general3A_9, %dot_general3A_21 : vector<2000x128xf32>
    %swap3A = arith.constant 0 : index
    %swap3A_22 = arith.constant 0 : index
    %swap3A_23 = vector.load %arg3[%swap3A, %swap3A_22] : memref<2000x128xf32, #tpu.memory_space<vmem>>, vector<2000x128xf32>
    tpu.vector_store %arg3[%swap3A, %swap3A_22], %add3A {strides = array<i32>} : memref<2000x128xf32, #tpu.memory_space<vmem>>, vector<2000x128xf32>,
    return
  }
  func.func @transform_0(%arg0: i32) -> (i32, i32, i32) {
    %c0_i32 = arith.constant 0 : i32
    %c0_i32_0 = arith.constant 0 : i32
    %c0_i32_1 = arith.constant 0 : i32
    return %c0_i32, %arg0, %c0_i32_0 : i32, i32, i32
  }
  func.func @transform_1(%arg0: i32) -> (i32, i32, i32) {
    %c0_i32 = arith.constant 0 : i32
    %c0_i32_0 = arith.constant 0 : i32
    %c0_i32_1 = arith.constant 0 : i32
    %c0_i32_2 = arith.constant 0 : i32
    return %c0_i32, %c0_i32_0, %c0_i32_1 : i32, i32, i32
  }
  func.func @transform_2(%arg0: i32) -> (i32, i32) {
    %c0_i32 = arith.constant 0 : i32
    %c0_i32_0 = arith.constant 0 : i32
    return %arg0, %c0_i32 : i32, i32
  }
}

</mosaic_0001>

<sc_bundles>
// kernel: kernel.10.cloned.1.call-start
scs
__scs_entry_jumppad:
0x0: {  	(pc) =	sbr.rel $0x88, $3  }
0x1: {  	(tag) =	ssettag $0x0;
	lr =	simm.s32 $0x1  }
0x2: {  	[smem:$0x3F98] =	sst lr;
	_ =	strace $0xD0000000  }
0x3: {  	_ = 	snop  }
0x4: {  	_ = 	snop  }
0x5: {  	_ = 	snop  }
0x6: {  	_ = 	snop  }
0x7: {  	_ = 	snop  }
__scs_overlays_trampoline_lowered:
0x8: {  	[smem:$0x3FA7] =	sst s0  }
0x9: {  	[smem:$0x3FA8] =	sst s1  }
0xa: {  	[smem:$0x3FA9] =	sst s2  }
0xb: {  	[smem:$0x3FAA] =	sst s3  }
0xc: {  	[smem:$0x3FAB] =	sst s4  }
0xd: {  	[smem:$0x3FAC] =	sst s5  }
0xe: {  	[smem:$0x3FAD] =	sst s6  }
0xf: {  	[smem:$0x3FAE] =	sst s7  }
0x10: {  	[smem:$0x3FAF] =	sst s8  }
0x11: {  	[smem:$0x3FB0] =	sst s9;
	s0 =	simm.s32 @!p0 $0x0  }
0x12: {  	s1 =	sld [smem:$0x3F96];
	s0 =	simm.s32 @p0 $0x1  }
0x13: {  	[smem:$0x3FB1] =	sst s0;
	s0 =	simm.s32 @!p1 $0x0  }
0x14: {  	s2 =	sld [smem:$0x3F95];
	s0 =	simm.s32 @p1 $0x1  }
0x15: {  	[smem:$0x3FB2] =	sst s0;
	s0 =	simm.s32 @!p2 $0x0  }
0x16: {  	s3 =	sld [smem:$0x3FDB];
	s0 =	simm.s32 @p2 $0x1  }
0x17: {  	s4 =	simm.s32 $0x1BF5;
	[smem:$0x3FB4] =	sst s0  }
0x18: {  	s0 =	sld [smem:$0x3F97];
	_ =	swait.ge [sflag:s4], $0x0  }
0x19: {  	s7 =	sld [smem:$0x3F98]  }
0x1a: {  	s8 =	sadd.s32 $0xFFFFE003, lr  }
0x1b: {  	s9 =	sadd.s32 $0xFFFFFEF7, lr;
	s5 =	simm.s32 $0xFFFFFFFF;
	p2 =	slt.u32 s8, $0xFFFFF086  }
0x1c: {  	p1 =	slt.u32 s9, $0xF7A;
	s5 =	simm.s32 @!p2 $0x0  }
0x1d: {  	s5 =	simm.s32 @p1 $0x1;
	p0 =	seq.s32 s7, s2  }
0x1e: {  	s7 =	smul.u32 @!p0 $0xF7A, s2;
	p2 =	seq.s32 @!p0 s5, $0x0  }
0x1f: {  	s9 =	smul.u32 $0xF7A, s1;
	s8 =	simm.s32 @!p0 $0x1BF5;
	p2 =	por !p2, p0  }
0x20: {  	[sflag:s8] =	ssyncset.s32 @!p0 $0xFFFFF086;
	s6 =	sadd.s32 @!p0 s3, s7;
	s7 =	simm.s32 @!p0 $0x108  }
0x21: {  	s3 =	sadd.s32 s3, s9;
	s6 =	sadd.s32 @!p0 $0x88, s6;
	s7 =	simm.s32 @p2 $0x1082  }
0x22: {  	[simem:s7], [sflag:s8] =	dma.local @!p0 [hbm:s6], $0xF7A  }
0x23: {  	s9 =	sor.u32 $0xD0000000, s2;
	s6 =	simm.s32 $0x108;
	_ =	swait.ge @!p0 [sflag:s8], $0x0  }
0x24: {  	s3 =	sadd.s32 $0x88, s3;
	s6 =	simm.s32 @!p1 $0x1082;
	[sflag:s4] =	ssyncset.s32 $0xFFFFF086  }
0x25: {  	[simem:s6], [sflag:s4] =	dma.local [hbm:s3], $0xF7A  }
0x26: {  	[smem:$0x3F98] =	sst s1;
	(tag) =	ssettag s2;
	_ =	strace s9  }
0x27: {  	s1 =	sld [smem:$0x3FA8]  }
0x28: {  	s2 =	sld [smem:$0x3FA9]  }
0x29: {  	s4 =	sld [smem:$0x3FAB]  }
0x2a: {  	p0 =	seq.s32 s5, $0x0;
	s5 =	sld [smem:$0x3FAC]  }
0x2b: {  	s6 =	sld [smem:$0x3FAD]  }
0x2c: {  	s7 =	sld [smem:$0x3FAE]  }
0x2d: {  	s3 =	simm.s32 $0x108;
	s8 =	sld [smem:$0x3FAF]  }
0x2e: {  	s3 =	simm.s32 @!p0 $0x1082;
	s9 =	sld [smem:$0x3FB0]  }
0x2f: {  	lr =	sadd.s32 s0, s3;
	s0 =	sld [smem:$0x3FA7]  }
0x30: {  	s3 =	sld [smem:$0x3FAA]  }
0x31: {  	[smem:$0x3FB3] =	sst s10  }
0x32: {  	s10 =	sld [smem:$0x3FB1];
	_ =	sdelay $0x3  }
0x33: {  	p0 =	seq.s32 s10, $0x1;
	s10 =	sld [smem:$0x3FB3];
	_ =	sdelay $0x3  }
0x34: {  	[smem:$0x3FB3] =	sst s10  }
0x35: {  	s10 =	sld [smem:$0x3FB2];
	_ =	sdelay $0x3  }
0x36: {  	p1 =	seq.s32 s10, $0x1;
	s10 =	sld [smem:$0x3FB3];
	_ =	sdelay $0x3  }
0x37: {  	[smem:$0x3FB3] =	sst s10  }
0x38: {  	s10 =	sld [smem:$0x3FB4]  }
0x39: {  	_ = 	snop;
	(pc) =	sbr.ind lr, $3  }
0x3a: {  	_ = 	snop  }
0x3b: {  	_ = 	snop  }
0x3c: {  	p2 =	seq.s32 s10, $0x1;
	s10 =	sld [smem:$0x3FB3]  }
0x3d: {  	_ =	shalt  }
0x3e: {  	_ =	shalt  }
0x3f: {  	_ =	shalt  }
0x40: {  	_ =	shalt  }
0x41: {  	_ =	shalt  }
0x42: {  	_ =	shalt  }
0x43: {  	_ =	shalt  }
0x44: {  	_ =	shalt  }
0x45: {  	_ =	shalt  }
0x46: {  	_ =	shalt  }
0x47: {  	_ =	shalt  }
0x48: {  	_ =	shalt  }
0x49: {  	_ =	shalt  }
0x4a: {  	_ =	shalt  }
0x4b: {  	_ =	shalt  }
0x4c: {  	_ =	shalt  }
0x4d: {  	_ =	shalt  }
0x4e: {  	_ =	shalt  }
0x4f: {  	_ =	shalt  }
0x50: {  	_ =	shalt  }
0x51: {  	_ =	shalt  }
0x52: {  	_ =	shalt  }
0x53: {  	_ =	shalt  }
0x54: {  	_ =	shalt  }
0x55: {  	_ =	shalt  }
0x56: {  	_ =	shalt  }
0x57: {  	_ =	shalt  }
0x58: {  	_ =	shalt  }
0x59: {  	_ =	shalt  }
0x5a: {  	_ =	shalt  }
0x5b: {  	_ =	shalt  }
0x5c: {  	_ =	shalt  }
0x5d: {  	_ =	shalt  }
0x5e: {  	_ =	shalt  }
0x5f: {  	_ =	shalt  }
0x60: {  	_ =	shalt  }
0x61: {  	_ =	shalt  }
0x62: {  	_ =	shalt  }
0x63: {  	_ =	shalt  }
0x64: {  	_ =	shalt  }
0x65: {  	_ =	shalt  }
0x66: {  	_ =	shalt  }
0x67: {  	_ =	shalt  }
0x68: {  	_ =	shalt  }
0x69: {  	_ =	shalt  }
0x6a: {  	_ =	shalt  }
0x6b: {  	_ =	shalt  }
0x6c: {  	_ =	shalt  }
0x6d: {  	_ =	shalt  }
0x6e: {  	_ =	shalt  }
0x6f: {  	_ =	shalt  }
0x70: {  	_ =	shalt  }
0x71: {  	_ =	shalt  }
0x72: {  	_ =	shalt  }
0x73: {  	_ =	shalt  }
0x74: {  	_ =	shalt  }
0x75: {  	_ =	shalt  }
0x76: {  	_ =	shalt  }
0x77: {  	_ =	shalt  }
0x78: {  	_ =	shalt  }
0x79: {  	_ =	shalt  }
0x7a: {  	_ =	shalt  }
0x7b: {  	_ =	shalt  }
0x7c: {  	_ =	shalt  }
0x7d: {  	_ =	shalt  }
0x7e: {  	_ =	shalt  }
0x7f: {  	_ =	shalt  }
0x80: {  	_ =	shalt  }
0x81: {  	_ =	shalt  }
0x82: {  	_ =	shalt  }
0x83: {  	_ =	shalt  }
0x84: {  	_ =	shalt  }
0x85: {  	_ =	shalt  }
0x86: {  	_ =	shalt  }
0x87: {  	_ =	shalt  }
.Lfunc_end0:
.L_simem_size_0:
called_computation.1_lowered:
.L_overlay_start_0:
0x88: {  	s2 =	sld [smem:$0x3FD9]  }
0x89: {  	s3 =	sld [smem:$0x3FFE];
	_ =	sdelay $0x1  }
0x8a: {  	s1 =	srdreg.scid  }
0x8b: {  	s0 =	sand.u32 $0x1, s1  }
0x8c: {  	s17 =	sshll.u32 s0, $0xA;
	s2 =	sadd.s32 s3, s2  }
0x8d: {  	s2 =	sadd.s32 s2, s17  }
0x8e: {  	[smem:$0x3FBF] =	sst s2  }
0x8f: {  	_ = 	snop  }
0x90: {  	s2 =	sld [smem:$0x3FC7]  }
0x91: {  	s18 =	sld [smem:$0x3FC6]  }
0x92: {  	s4 =	sld [smem:$0x3FD0];
	(tm) =	ssettm $0x1  }
0x93: {  	s5 =	sld [smem:$0x3FFB];
	_ =	sdelay $0x3  }
0x94: {  	_ =	strace s5  }
0x95: {  	s5 =	sld [smem:$0x3FFC];
	_ =	sdelay $0x3  }
0x96: {  	_ =	strace s5  }
0x97: {  	s5 =	sld [smem:$0x3FFD];
	_ =	sdelay $0x3  }
0x98: {  	_ =	strace s5  }
0x99: {  	_ =	strace $0x8FFFFFFF  }
0x9a: {  	s19 =	sld [smem:$0x3FDB];
	_ =	sdelay $0x1  }
0x9b: {  	s6 =	simm.s32 $_scs_section_size  }
0x9c: {  	s7 =	simm.s32 $_size__tile_overlayer_lowered;
	s8 =	simm.s32 $_tile_overlayer_lowered  }
0x9d: {  	s22 =	simm.s32 $0x1BFF;
	s21 =	sshll.u32 s8, $0x1;
	s5 =	sadd.s32 s6, s19  }
0x9e: {  	s9 =	simm.s32 $0x0;
	s20 =	sshll.u32 s7, $0x1;
	s7 =	sadd.s32 s21, s5  }
0x9f: {  	[timem:s9], [sflag:s22] =	dma.local [hbm:s7], s20  }
0xa0: {  	_ =	swait.ge [sflag:s22], s20  }
0xa1: {  	s6 =	ssub.s32 $0x0, s20;
	[sflag:s22] =	ssyncset.done $0x0  }
0xa2: {  	[sflag:s22] =	ssyncadd.s32 s6;
	_ =	sdelay $0x1  }
0xa3: {  	s23 =	simm.s32 $0x1B8B  }
0xa4: {  	_ =	swait.ge [sflag:s23], $0x1  }
0xa5: {  	[sflag:s23] =	ssyncset.done $0x0  }
0xa6: {  	s25 =	simm.s32 $0x1B8E;
	s24 =	sld [smem:$0x3FFE];
	[sflag:s23] =	ssyncadd.s32 $0xFFFFFFFF  }
0xa7: {  	s26 =	simm.s32 $execute0_lowered;
	[smem:$0x3FD2] =	sst s25  }
0xa8: {  	s7 =	sshll.u32 s26, $0x1;
	_ =	strace $0x80000049;
	[dreg:$0x1] =	wrdreg $0xFFFFFFFF  }
0xa9: {  	s28 =	simm.s32 $_size_execute0_lowered;
	s5 =	sadd.s32 s5, s7;
	[dreg:$0x0] =	wrdreg $0x0  }
0xaa: {  	s7 =	sshll.u32 s28, $0x1;
	[dreg:$0x2] =	wrdreg s5  }
0xab: {  	[dreg:$0x3] =	wrdreg s7  }
0xac: {  	[dreg:$0x4] =	wrdreg $0xC0  }
0xad: {  	_ =	task [dreg:s9], $0x5FFFF  }
0xae: {  	[dreg:$0x1] =	wrdreg $0xFFFFFFFF  }
0xaf: {  	[dreg:$0x0] =	wrdreg $0x60  }
0xb0: {  	[dreg:$0x2] =	wrdreg s4  }
0xb1: {  	[dreg:$0x3] =	wrdreg s2  }
0xb2: {  	[dreg:$0x4] =	wrdreg s18  }
0xb3: {  	[dreg:$0x5] =	wrdreg s24  }
0xb4: {  	[dreg:$0x6] =	wrdreg $0xB5000  }
0xb5: {  	[dreg:$0x7] =	wrdreg $0x9  }
0xb6: {  	_ =	task.clear_ibuf [dreg:s9], $0x8FFFF;
	_ =	strace $0x90000049  }
0xb7: {  	s29 =	simm.s32 $0x9;
	_ =	strace $0x8000004B  }
0xb8: {  	_ =	swait.ge [sflag:s29], $0x1  }
0xb9: {  	[sflag:s29] =	ssyncadd.s32 $0xFFFFFFFF  }
0xba: {  	_ =	strace $0x9000004B  }
0xbb: {  	_ =	sfence  }
0xbc: {  	s30 =	sld [smem:$0x0];
	_ =	sdelay $0x2  }
0xbd: {  	s31 =	sshll.u32 s1, $0xD;
	s1 =	sshrl.u32 s1, $0x2  }
0xbe: {  	s3 =	sand.u32 $0x4000, s31;
	s1 =	sadd.s32 s1, s30  }
0xbf: {  	s0 =	sor.u32 s3, s0;
	s1 =	sshll.u32 s1, $0x11  }
0xc0: {  	s0 =	sor.u32 s1, s0  }
0xc1: {  	s0 =	sadd.s32 $0x8F2B, s0  }
0xc2: {  	[sflag:s0] =	ssyncadd.remote.s32 $0x1  }
0xc3: {  	_ =	sfence.sel $0xFFFF  }
0xc4: {  	[dreg:$0x0] =	wrdreg $0xFFFFFFFF;
	(pc) =	sbr.abs _section_cstart, $3  }
0xc5: {  	[dreg:$0x1] =	wrdreg $0xFFFFFFFF  }
0xc6: {  	_ =	task.clear_ibuf [dreg:s9], $0x2FFFF;
	_ =	strace $0x9FFFFFFF  }
0xc7: {  	(tm) =	ssettm $0x7FFFFFFF  }
tec
execute0_lowered:
.L_overlay_start_1:
0x0: {  	(tag) =	ssettag $0x1  }
0x1: {  	s7 =	srdreg.scid;
	s4 =	stileid.u32  }
0x2: {  	s10 =	sand.u32 $0x1, s7;
	s7 =	smul.u32 $0x4E20, s4  }
0x3: {  	s1 =	rddreg [dreg:$0x0];
	s11 =	smul.u32 $0x19000, s4  }
0x4: {  	s2 =	rddreg [dreg:$0x1];
	s23 =	smul.u32 $0x6400, s4  }
0x5: {  	s3 =	rddreg [dreg:$0x2];
	s8 =	smul.u32 $0x2710000, s10  }
0x6: {  	s0 =	rddreg [dreg:$0x3];
	s13 =	sor.u32 $0x10, s4;
	s16 =	smul.u32 $0x138800, s10  }
0x7: {  	s5 =	rddreg [dreg:$0x4];
	s15 =	sor.u32 $0x20, s4;
	s14 =	smul.u32 $0x19000, s13  }
0x8: {  	s6 =	simm.s32 $0x0;
	s19 =	sor.u32 $0x30, s4;
	s17 =	smul.u32 $0x19000, s15  }
0x9: {  	s28 =	simm.s32 $0x0;
	[smem:$0x7FF] =	sst s6;
	s18 =	smul.u32 $0x19000, s19  }
0xa: {  	s9 =	sadd.s32 $0x580000, s0;
	s0 =	sadd.s32 $0xA00, s0;
	s20 =	smul.u32 $0x6400, s13  }
0xb: {  	_ =	strace $0x8000004A;
	s10 =	ssub.s32 $0x2, s10;
	s24 =	smul.u32 $0x6400, s15  }
0xc: {  	s21 =	smul.u32 $0x6400, s19;
	p0 =	sgt.u32 s19, $0x31;
	s12 =	sshrl.u32 s10, $0x1  }
0xd: {  	s19 =	simm.s32 $0x5100;
	s11 =	sshrl.u32 s11, $0x2;
	s10 =	ssub.s32 s10, s12  }
0xe: {  	s11 =	sadd.s32 s11, s5;
	s22 =	sshrl.u32 s14, $0x2;
	s17 =	sshrl.u32 s17, $0x2  }
0xf: {  	s14 =	sadd.s32 s16, s23;
	s25 =	sshrl.u32 s18, $0x2;
	s29 =	sadd.s32 s16, s20  }
0x10: {  	s30 =	sadd.s32 s16, s21;
	s20 =	simm.s32 $0x2;
	s21 =	simm.s32 $0x80  }
0x11: {  	s23 =	simm.s32 $0x100;
	s10 =	smax.u32 s10, $0x1;
	s12 =	sadd.s32 s22, s5  }
0x12: {  	s13 =	sadd.s32 s17, s5;
	s26 =	sshrl.u32 s14, $0x3;
	s14 =	sadd.s32 s25, s5  }
0x13: {  	s18 =	sshrl.u32 s29, $0x3;
	s17 =	sadd.s32 s16, s24;
	s31 =	sshrl.u32 s30, $0x3  }
0x14: {  	s22 =	simm.s32 $0x50;
	s24 =	simm.s32 $0x1;
	s25 =	simm.s32 $0x2900  }
0x15: {  	s15 =	sadd.s32 s0, s26;
	s16 =	sadd.s32 s0, s18;
	s17 =	sshrl.u32 s17, $0x3  }
0x16: {  	v0 =	vimm.f32 $0.0e+00;
	s18 =	sadd.s32 s0, s31;
	s26 =	simm.s32 $0x3;
	s17 =	sadd.s32 s0, s17  }
.LBB2_1:
0x17: {  	s0 =	sand.u32 $0x1FE00, s6  }
0x18: {  	s30 =	sand.u32 $0x70, s6;
	s0 =	sshrl.u32 s0, $0x2  }
0x19: {  	s29 =	simm.s32 $0x40;
	s30 =	sor.u32 s30, s0;
	s0 =	simm.s32 $0x0  }
.LBB2_2:
0x1a: {  	p1 =	sne.s32 s29, $0x18FC0  }
0x1b: {  	[tilespmem:s30+$0x5100] =	vst v0;
	s0 =	sadd.s32 $0x10, s0;
	s30 =	smov.u32 s29;
	s29 =	sadd.s32 $0x40, s29  }
.Ltmp0:
0x1c: {  	(pc) =	sbr.rel @p1 .LBB2_2-.Ltmp0, $4  }
0x1d: {  	_ = 	snop  }
0x1e: {  	s30 =	sand.u32 $0x1FE00, s30  }
0x1f: {  	s31 =	sand.u32 $0x70, s0;
	s30 =	sshrl.u32 s30, $0x2  }
0x20: {  	s30 =	sor.u32 s31, s30  }
0x21: {  	[tilespmem:s30+$0x5100] =	vst v0  }
0x22: {  	[spmem:s11] =	stream.linear.scatter [tilespmem:s19], [sflag:$0x2], $0x6400, $0x38;
	[tilespmem:$0x1ED80] =	vst v63  }
0x23: {  	_ =	swait.ge [sflag:s20], $0x6400  }
0x24: {  	[sflag:s20] =	ssyncset.done $0x0  }
0x25: {  	[sflag:s20] =	ssyncadd.s32 $0xFFFF9C00  }
0x26: {  	[spmem:s12] =	stream.linear.scatter [tilespmem:s19], [sflag:$0x2], $0x6400, $0x38;
	[tilespmem:$0x1ED80] =	vst v63  }
0x27: {  	_ =	swait.ge [sflag:s20], $0x6400  }
0x28: {  	[sflag:s20] =	ssyncset.done $0x0  }
0x29: {  	[sflag:s20] =	ssyncadd.s32 $0xFFFF9C00  }
0x2a: {  	[spmem:s13] =	stream.linear.scatter [tilespmem:s19], [sflag:$0x2], $0x6400, $0x38;
	[tilespmem:$0x1ED80] =	vst v63  }
0x2b: {  	_ =	swait.ge [sflag:s20], $0x6400  }
0x2c: {  	[sflag:s20] =	ssyncset.done $0x0  }
0x2d: {  	s0 =	simm.s32 @!p0 $0x5100;
	[sflag:s20] =	ssyncadd.s32 $0xFFFF9C00  }
0x2e: {  	[spmem:s14] =	stream.linear.scatter @!p0 [tilespmem:s0], [sflag:$0x2], $0x6400, $0x38;
	[tilespmem:$0x1ED80] =	vst v63  }
0x2f: {  	s0 =	simm.s32 @!p0 $0x2  }
0x30: {  	_ =	swait.ge @!p0 [sflag:s0], $0x6400  }
0x31: {  	[sflag:s0] =	ssyncset.done @!p0 $0x0  }
0x32: {  	[sflag:s0] =	ssyncadd.s32 @!p0 $0xFFFF9C00  }
0x33: {  	s29 =	simm.s32 $0x0;
	s30 =	simm.s32 $0x0;
	[bflag:$0x0] =	sbarrier.arrive $0xFFFF  }
.LBB2_4:
0x34: {  	s0 =	smul.u32 $0x50, s30;
	_ =	sdelay $0x1  }
0x35: {  	s0 =	sadd.s32 s7, s0  }
0x36: {  	s31 =	sshrl.u32 s0, $0x3  }
0x37: {  	s4 =	sadd.s32 s2, s31  }
0x38: {  	[tilespmem:s29], [sflag:$0x2] =	stream.linear.gather [hbm4b:s4+s29], $0x50, $0x38;
	[tilespmem:$0x1ED80] =	vst v63  }
0x39: {  	_ =	swait.ge [sflag:s20], $0x50  }
0x3a: {  	[sflag:s20] =	ssyncset.done $0x0  }
0x3b: {  	s4 =	sadd.s32 s3, s31;
	[sflag:s20] =	ssyncadd.s32 $0xFFFFFFB0  }
0x3c: {  	[tilespmem:s21], [sflag:$0x2] =	stream.linear.gather [hbm4b:s4+s29], $0x50, $0x38;
	[tilespmem:$0x1ED80] =	vst v63  }
0x3d: {  	_ =	swait.ge [sflag:s20], $0x50  }
0x3e: {  	[sflag:s20] =	ssyncset.done $0x0  }
0x3f: {  	s0 =	sshll.u32 s0, $0x7;
	[sflag:s20] =	ssyncadd.s32 $0xFFFFFFB0  }
0x40: {  	[tilespmem:s23], [sflag:$0x1] =	stream.indirect.gather [hbm4b:s1+s22], $0x80, s29, s22, $0xb8;
	[tilespmem:$0x1ED80] =	vst v63  }
0x41: {  	s0 =	sadd.s32 s8, s0;
	_ =	swait.ge [sflag:s24], $0x2800  }
0x42: {  	s0 =	sshrl.u32 s0, $0x3;
	[sflag:s24] =	ssyncset.done $0x0  }
0x43: {  	s0 =	sadd.s32 s9, s0;
	[sflag:s24] =	ssyncadd.s32 $0xFFFFD800  }
0x44: {  	[tilespmem:s25], [sflag:$0x2] =	stream.linear.gather [hbm4b:s0+s29], $0x2800, $0x38;
	[tilespmem:$0x1ED80] =	vst v63  }
0x45: {  	_ =	swait.ge [sflag:s20], $0x2800  }
0x46: {  	[sflag:s20] =	ssyncset.done $0x0  }
0x47: {  	s31 =	simm.s32 $0x0;
	[sflag:s20] =	ssyncadd.s32 $0xFFFFD800  }
0x48: {  	s0 =	simm.s32 $0x40;
	v1 =	vld [tilespmem:s31+$0x2900]  }
.LBB2_5:
0x49: {  	p1 =	sne.s32 s0, $0x9FC0;
	v2 =	vld [tilespmem:s31+$0x100];
	_ =	sdelay $0x2  }
.Ltmp1:
0x4a: {  	(pc) =	sbr.rel @p1 .LBB2_5-.Ltmp1, $4  }
0x4b: {  	_ = 	snop  }
0x4c: {  	v2 =	vmul.f32 v1, v2  }
0x4d: {  	s4 =	sshra.s32 s0, $0x2  }
0x4e: {  	s0 =	sadd.s32 $0x40, s0;
	v1 =	vld [tilespmem:s4+$0x2900];
	[tilespmem:s31+$0x100] =	vst v2;
	s31 =	smov.u32 s4  }
0x4f: {  	v2 =	vld [tilespmem:s31+$0x100];
	_ =	sdelay $0x4  }
0x50: {  	s30 =	sadd.s32 $0x1, s30;
	v1 =	vmul.f32 v1, v2  }
0x51: {  	p1 =	sne.s32 s30, $0xFA  }
.Ltmp2:
0x52: {  	[tilespmem:s31+$0x100] =	vst v1;
	(pc) =	sbr.rel @p1 .LBB2_4-.Ltmp2, $4  }
0x53: {  	[spmem:s5] =	stream.indirect.scatter.add.f32 [tilespmem:s23], [sflag:$0x2], $0x80, s21, s22, $0xb8;
	[tilespmem:$0x1ED80] =	vst v63  }
0x54: {  	_ =	swait.ge [sflag:s20], $0x2800  }
0x55: {  	[sflag:s20] =	ssyncset.done $0x0  }
0x56: {  	[sflag:s20] =	ssyncadd.s32 $0xFFFFD800  }
0x57: {  	[bflag:$0x0] =	sbarrier.arrive $0xFFFF  }
0x58: {  	[tilespmem:s19], [sflag:$0x3] =	stream.linear.gather [spmem:s11], $0x6400, $0x38;
	[tilespmem:$0x1ED80] =	vst v63  }
0x59: {  	_ =	swait.ge [sflag:s26], $0x6400  }
0x5a: {  	[sflag:s26] =	ssyncset.done $0x0  }
0x5b: {  	[sflag:s26] =	ssyncadd.s32 $0xFFFF9C00  }
0x5c: {  	[hbm4b:s15+s6] =	stream.linear.scatter [tilespmem:s19], [sflag:$0x2], $0x6400, $0x38;
	[tilespmem:$0x1ED80] =	vst v63  }
0x5d: {  	_ =	swait.ge [sflag:s20], $0x6400  }
0x5e: {  	[sflag:s20] =	ssyncset.done $0x0  }
0x5f: {  	[sflag:s20] =	ssyncadd.s32 $0xFFFF9C00  }
0x60: {  	[tilespmem:s19], [sflag:$0x3] =	stream.linear.gather [spmem:s12], $0x6400, $0x38;
	[tilespmem:$0x1ED80] =	vst v63  }
0x61: {  	_ =	swait.ge [sflag:s26], $0x6400  }
0x62: {  	[sflag:s26] =	ssyncset.done $0x0  }
0x63: {  	[sflag:s26] =	ssyncadd.s32 $0xFFFF9C00  }
0x64: {  	[hbm4b:s16+s6] =	stream.linear.scatter [tilespmem:s19], [sflag:$0x2], $0x6400, $0x38;
	[tilespmem:$0x1ED80] =	vst v63  }
0x65: {  	_ =	swait.ge [sflag:s20], $0x6400  }
0x66: {  	[sflag:s20] =	ssyncset.done $0x0  }
0x67: {  	[sflag:s20] =	ssyncadd.s32 $0xFFFF9C00  }
0x68: {  	[tilespmem:s19], [sflag:$0x3] =	stream.linear.gather [spmem:s13], $0x6400, $0x38;
	[tilespmem:$0x1ED80] =	vst v63  }
0x69: {  	_ =	swait.ge [sflag:s26], $0x6400  }
0x6a: {  	[sflag:s26] =	ssyncset.done $0x0  }
0x6b: {  	[sflag:s26] =	ssyncadd.s32 $0xFFFF9C00  }
0x6c: {  	[hbm4b:s17+s6] =	stream.linear.scatter [tilespmem:s19], [sflag:$0x2], $0x6400, $0x38;
	[tilespmem:$0x1ED80] =	vst v63  }
0x6d: {  	_ =	swait.ge [sflag:s20], $0x6400  }
0x6e: {  	[sflag:s20] =	ssyncset.done $0x0  }
0x6f: {  	s0 =	simm.s32 @!p0 $0x5100;
	s4 =	simm.s32 @!p0 $0x3;
	[sflag:s20] =	ssyncadd.s32 $0xFFFF9C00  }
0x70: {  	[tilespmem:s0], [sflag:$0x3] =	stream.linear.gather @!p0 [spmem:s14], $0x6400, $0x38;
	[tilespmem:$0x1ED80] =	vst v63  }
0x71: {  	_ =	swait.ge @!p0 [sflag:s4], $0x6400  }
0x72: {  	s28 =	sadd.s32 $0x1, s28;
	[sflag:s4] =	ssyncset.done @!p0 $0x0  }
0x73: {  	p1 =	sne.s32 s28, s10;
	[sflag:s4] =	ssyncadd.s32 @!p0 $0xFFFF9C00;
	s4 =	simm.s32 @!p0 $0x0  }
0x74: {  	[hbm4b:s18+s4] =	stream.linear.scatter @!p0 [tilespmem:s0], [sflag:$0x2], $0x6400, $0x38;
	[tilespmem:$0x1ED80] =	vst v63  }
.Ltmp3:
0x75: {  	_ = 	snop;
	(pc) =	sbr.rel @p1 .LBB2_1-.Ltmp3, $4  }
0x76: {  	s0 =	simm.s32 @!p0 $0x2  }
0x77: {  	_ =	swait.ge @!p0 [sflag:s0], $0x6400  }
0x78: {  	[sflag:s0] =	ssyncset.done @!p0 $0x0  }
0x79: {  	[sflag:s0] =	ssyncadd.s32 @!p0 $0xFFFF9C00  }
0x7a: {  	_ =	sfence.sel $0x180000  }
0x7b: {  	[bflag:$0x0] =	sbarrier.arrive $0xFFFF  }
0x7c: {  	_ =	strace $0x9000004A  }
0x7d: {  	s0 =	stileid.u32;
	[bflag:$0x2] =	sbarrier.arrive $0xFFFF  }
0x7e: {  	p0 =	sne.s32 s0, $0x0;
	s0 =	rddreg [dreg:$0x5]  }
0x7f: {  	s0 =	sadd.s32 @!p0 $0x100000, s0  }
0x80: {  	[sflag:s0] =	ssyncadd.tile.s32 @!p0 $0x1;
	_ =	shalt  }
.Lfunc_end2:
_tile_overlayer_lowered:
.L_overlay_start_2:
0x81: {  	(tag) =	ssettag $0x2  }
0x82: {  	s0 =	rddreg [dreg:$0x0];
	s2 =	stileid.u32  }
0x83: {  	s1 =	rddreg [dreg:$0x1];
	p0 =	sne.s32 s2, $0x0  }
0x84: {  	s3 =	rddreg [dreg:$0x2];
	[bflag:$0x3] =	sbarrier.arrive $0xFFFF;
	s2 =	simm.s32 @!p0 $0x1C02  }
0x85: {  	[timem:s3], [sflag:s2] =	dma.local @!p0 [hbm:s0], s1  }
0x86: {  	s0 =	simm.s32 @!p0 $0x2  }
0x87: {  	_ =	swait.ge @!p0 [sflag:s0], s1  }
0x88: {  	s1 =	ssub.s32 @!p0 $0x0, s1;
	[sflag:s0] =	ssyncset.done @!p0 $0x0  }
0x89: {  	[sflag:s0] =	ssyncadd.s32 @!p0 s1  }
0x8a: {  	[bflag:$0x3] =	sbarrier.arrive $0xFFFF  }
0x8b: {  	_ =	shalt  }

// kernel: kernel.7.cloned.1.call-start
scs
__scs_entry_jumppad:
0x0: {  	(pc) =	sbr.rel $0x88, $3  }
0x1: {  	(tag) =	ssettag $0x0;
	lr =	simm.s32 $0x1  }
0x2: {  	[smem:$0x3F98] =	sst lr;
	_ =	strace $0xD0000000  }
0x3: {  	_ = 	snop  }
0x4: {  	_ = 	snop  }
0x5: {  	_ = 	snop  }
0x6: {  	_ = 	snop  }
0x7: {  	_ = 	snop  }
__scs_overlays_trampoline_lowered:
0x8: {  	[smem:$0x3FA7] =	sst s0  }
0x9: {  	[smem:$0x3FA8] =	sst s1  }
0xa: {  	[smem:$0x3FA9] =	sst s2  }
0xb: {  	[smem:$0x3FAA] =	sst s3  }
0xc: {  	[smem:$0x3FAB] =	sst s4  }
0xd: {  	[smem:$0x3FAC] =	sst s5  }
0xe: {  	[smem:$0x3FAD] =	sst s6  }
0xf: {  	[smem:$0x3FAE] =	sst s7  }
0x10: {  	[smem:$0x3FAF] =	sst s8  }
0x11: {  	[smem:$0x3FB0] =	sst s9;
	s0 =	simm.s32 @!p0 $0x0  }
0x12: {  	s1 =	sld [smem:$0x3F96];
	s0 =	simm.s32 @p0 $0x1  }
0x13: {  	[smem:$0x3FB1] =	sst s0;
	s0 =	simm.s32 @!p1 $0x0  }
0x14: {  	s2 =	sld [smem:$0x3F95];
	s0 =	simm.s32 @p1 $0x1  }
0x15: {  	[smem:$0x3FB2] =	sst s0;
	s0 =	simm.s32 @!p2 $0x0  }
0x16: {  	s3 =	sld [smem:$0x3FDB];
	s0 =	simm.s32 @p2 $0x1  }
0x17: {  	s4 =	simm.s32 $0x1BF5;
	[smem:$0x3FB4] =	sst s0  }
0x18: {  	s0 =	sld [smem:$0x3F97];
	_ =	swait.ge [sflag:s4], $0x0  }
0x19: {  	s7 =	sld [smem:$0x3F98]  }
0x1a: {  	s8 =	sadd.s32 $0xFFFFE003, lr  }
0x1b: {  	s9 =	sadd.s32 $0xFFFFFEF7, lr;
	s5 =	simm.s32 $0xFFFFFFFF;
	p2 =	slt.u32 s8, $0xFFFFF086  }
0x1c: {  	p1 =	slt.u32 s9, $0xF7A;
	s5 =	simm.s32 @!p2 $0x0  }
0x1d: {  	s5 =	simm.s32 @p1 $0x1;
	p0 =	seq.s32 s7, s2  }
0x1e: {  	s7 =	smul.u32 @!p0 $0xF7A, s2;
	p2 =	seq.s32 @!p0 s5, $0x0  }
0x1f: {  	s9 =	smul.u32 $0xF7A, s1;
	s8 =	simm.s32 @!p0 $0x1BF5;
	p2 =	por !p2, p0  }
0x20: {  	[sflag:s8] =	ssyncset.s32 @!p0 $0xFFFFF086;
	s6 =	sadd.s32 @!p0 s3, s7;
	s7 =	simm.s32 @!p0 $0x108  }
0x21: {  	s3 =	sadd.s32 s3, s9;
	s6 =	sadd.s32 @!p0 $0x88, s6;
	s7 =	simm.s32 @p2 $0x1082  }
0x22: {  	[simem:s7], [sflag:s8] =	dma.local @!p0 [hbm:s6], $0xF7A  }
0x23: {  	s9 =	sor.u32 $0xD0000000, s2;
	s6 =	simm.s32 $0x108;
	_ =	swait.ge @!p0 [sflag:s8], $0x0  }
0x24: {  	s3 =	sadd.s32 $0x88, s3;
	s6 =	simm.s32 @!p1 $0x1082;
	[sflag:s4] =	ssyncset.s32 $0xFFFFF086  }
0x25: {  	[simem:s6], [sflag:s4] =	dma.local [hbm:s3], $0xF7A  }
0x26: {  	[smem:$0x3F98] =	sst s1;
	(tag) =	ssettag s2;
	_ =	strace s9  }
0x27: {  	s1 =	sld [smem:$0x3FA8]  }
0x28: {  	s2 =	sld [smem:$0x3FA9]  }
0x29: {  	s4 =	sld [smem:$0x3FAB]  }
0x2a: {  	p0 =	seq.s32 s5, $0x0;
	s5 =	sld [smem:$0x3FAC]  }
0x2b: {  	s6 =	sld [smem:$0x3FAD]  }
0x2c: {  	s7 =	sld [smem:$0x3FAE]  }
0x2d: {  	s3 =	simm.s32 $0x108;
	s8 =	sld [smem:$0x3FAF]  }
0x2e: {  	s3 =	simm.s32 @!p0 $0x1082;
	s9 =	sld [smem:$0x3FB0]  }
0x2f: {  	lr =	sadd.s32 s0, s3;
	s0 =	sld [smem:$0x3FA7]  }
0x30: {  	s3 =	sld [smem:$0x3FAA]  }
0x31: {  	[smem:$0x3FB3] =	sst s10  }
0x32: {  	s10 =	sld [smem:$0x3FB1];
	_ =	sdelay $0x3  }
0x33: {  	p0 =	seq.s32 s10, $0x1;
	s10 =	sld [smem:$0x3FB3];
	_ =	sdelay $0x3  }
0x34: {  	[smem:$0x3FB3] =	sst s10  }
0x35: {  	s10 =	sld [smem:$0x3FB2];
	_ =	sdelay $0x3  }
0x36: {  	p1 =	seq.s32 s10, $0x1;
	s10 =	sld [smem:$0x3FB3];
	_ =	sdelay $0x3  }
0x37: {  	[smem:$0x3FB3] =	sst s10  }
0x38: {  	s10 =	sld [smem:$0x3FB4]  }
0x39: {  	_ = 	snop;
	(pc) =	sbr.ind lr, $3  }
0x3a: {  	_ = 	snop  }
0x3b: {  	_ = 	snop  }
0x3c: {  	p2 =	seq.s32 s10, $0x1;
	s10 =	sld [smem:$0x3FB3]  }
0x3d: {  	_ =	shalt  }
0x3e: {  	_ =	shalt  }
0x3f: {  	_ =	shalt  }
0x40: {  	_ =	shalt  }
0x41: {  	_ =	shalt  }
0x42: {  	_ =	shalt  }
0x43: {  	_ =	shalt  }
0x44: {  	_ =	shalt  }
0x45: {  	_ =	shalt  }
0x46: {  	_ =	shalt  }
0x47: {  	_ =	shalt  }
0x48: {  	_ =	shalt  }
0x49: {  	_ =	shalt  }
0x4a: {  	_ =	shalt  }
0x4b: {  	_ =	shalt  }
0x4c: {  	_ =	shalt  }
0x4d: {  	_ =	shalt  }
0x4e: {  	_ =	shalt  }
0x4f: {  	_ =	shalt  }
0x50: {  	_ =	shalt  }
0x51: {  	_ =	shalt  }
0x52: {  	_ =	shalt  }
0x53: {  	_ =	shalt  }
0x54: {  	_ =	shalt  }
0x55: {  	_ =	shalt  }
0x56: {  	_ =	shalt  }
0x57: {  	_ =	shalt  }
0x58: {  	_ =	shalt  }
0x59: {  	_ =	shalt  }
0x5a: {  	_ =	shalt  }
0x5b: {  	_ =	shalt  }
0x5c: {  	_ =	shalt  }
0x5d: {  	_ =	shalt  }
0x5e: {  	_ =	shalt  }
0x5f: {  	_ =	shalt  }
0x60: {  	_ =	shalt  }
0x61: {  	_ =	shalt  }
0x62: {  	_ =	shalt  }
0x63: {  	_ =	shalt  }
0x64: {  	_ =	shalt  }
0x65: {  	_ =	shalt  }
0x66: {  	_ =	shalt  }
0x67: {  	_ =	shalt  }
0x68: {  	_ =	shalt  }
0x69: {  	_ =	shalt  }
0x6a: {  	_ =	shalt  }
0x6b: {  	_ =	shalt  }
0x6c: {  	_ =	shalt  }
0x6d: {  	_ =	shalt  }
0x6e: {  	_ =	shalt  }
0x6f: {  	_ =	shalt  }
0x70: {  	_ =	shalt  }
0x71: {  	_ =	shalt  }
0x72: {  	_ =	shalt  }
0x73: {  	_ =	shalt  }
0x74: {  	_ =	shalt  }
0x75: {  	_ =	shalt  }
0x76: {  	_ =	shalt  }
0x77: {  	_ =	shalt  }
0x78: {  	_ =	shalt  }
0x79: {  	_ =	shalt  }
0x7a: {  	_ =	shalt  }
0x7b: {  	_ =	shalt  }
0x7c: {  	_ =	shalt  }
0x7d: {  	_ =	shalt  }
0x7e: {  	_ =	shalt  }
0x7f: {  	_ =	shalt  }
0x80: {  	_ =	shalt  }
0x81: {  	_ =	shalt  }
0x82: {  	_ =	shalt  }
0x83: {  	_ =	shalt  }
0x84: {  	_ =	shalt  }
0x85: {  	_ =	shalt  }
0x86: {  	_ =	shalt  }
0x87: {  	_ =	shalt  }
.Lfunc_end0:
.L_simem_size_0:
called_computation_lowered:
.L_overlay_start_0:
0x88: {  	s2 =	sld [smem:$0x3FD9]  }
0x89: {  	s3 =	sld [smem:$0x3FFE];
	_ =	sdelay $0x1  }
0x8a: {  	s1 =	srdreg.scid  }
0x8b: {  	s0 =	sand.u32 $0x1, s1  }
0x8c: {  	s17 =	sshll.u32 s0, $0xA;
	s2 =	sadd.s32 s3, s2  }
0x8d: {  	s2 =	sadd.s32 s2, s17  }
0x8e: {  	[smem:$0x3FBF] =	sst s2  }
0x8f: {  	_ = 	snop  }
0x90: {  	s2 =	sld [smem:$0x3FC7]  }
0x91: {  	s18 =	sld [smem:$0x3FC6];
	(tm) =	ssettm $0x1  }
0x92: {  	s4 =	sld [smem:$0x3FFB];
	_ =	sdelay $0x3  }
0x93: {  	_ =	strace s4  }
0x94: {  	s4 =	sld [smem:$0x3FFC];
	_ =	sdelay $0x3  }
0x95: {  	_ =	strace s4  }
0x96: {  	s4 =	sld [smem:$0x3FFD];
	_ =	sdelay $0x3  }
0x97: {  	_ =	strace s4  }
0x98: {  	_ =	strace $0x8FFFFFFF  }
0x99: {  	s19 =	sld [smem:$0x3FDB];
	_ =	sdelay $0x1  }
0x9a: {  	s5 =	simm.s32 $_scs_section_size  }
0x9b: {  	s6 =	simm.s32 $_size__tile_overlayer_lowered;
	s7 =	simm.s32 $_tile_overlayer_lowered  }
0x9c: {  	s22 =	simm.s32 $0x1BFF;
	s21 =	sshll.u32 s7, $0x1;
	s4 =	sadd.s32 s5, s19  }
0x9d: {  	s8 =	simm.s32 $0x0;
	s20 =	sshll.u32 s6, $0x1;
	s6 =	sadd.s32 s21, s4  }
0x9e: {  	[timem:s8], [sflag:s22] =	dma.local [hbm:s6], s20  }
0x9f: {  	_ =	swait.ge [sflag:s22], s20  }
0xa0: {  	s5 =	ssub.s32 $0x0, s20;
	[sflag:s22] =	ssyncset.done $0x0  }
0xa1: {  	[sflag:s22] =	ssyncadd.s32 s5;
	_ =	sdelay $0x1  }
0xa2: {  	s23 =	simm.s32 $0x1B8B  }
0xa3: {  	_ =	swait.ge [sflag:s23], $0x1  }
0xa4: {  	[sflag:s23] =	ssyncset.done $0x0  }
0xa5: {  	s25 =	simm.s32 $0x1B8E;
	s24 =	sld [smem:$0x3FFE];
	[sflag:s23] =	ssyncadd.s32 $0xFFFFFFFF  }
0xa6: {  	s26 =	simm.s32 $execute0_lowered;
	[smem:$0x3FD2] =	sst s25  }
0xa7: {  	s6 =	sshll.u32 s26, $0x1;
	_ =	strace $0x80000046;
	[dreg:$0x1] =	wrdreg $0xFFFFFFFF  }
0xa8: {  	s28 =	simm.s32 $_size_execute0_lowered;
	s4 =	sadd.s32 s4, s6;
	[dreg:$0x0] =	wrdreg $0x0  }
0xa9: {  	s6 =	sshll.u32 s28, $0x1;
	[dreg:$0x2] =	wrdreg s4  }
0xaa: {  	[dreg:$0x3] =	wrdreg s6  }
0xab: {  	[dreg:$0x4] =	wrdreg $0xC0  }
0xac: {  	_ =	task [dreg:s8], $0x5FFFF  }
0xad: {  	[dreg:$0x1] =	wrdreg $0xFFFFFFFF  }
0xae: {  	[dreg:$0x0] =	wrdreg $0x60  }
0xaf: {  	[dreg:$0x2] =	wrdreg s24  }
0xb0: {  	[dreg:$0x3] =	wrdreg s2  }
0xb1: {  	[dreg:$0x4] =	wrdreg s18  }
0xb2: {  	[dreg:$0x5] =	wrdreg $0x9  }
0xb3: {  	_ =	task.clear_ibuf [dreg:s8], $0x6FFFF;
	_ =	strace $0x90000046  }
0xb4: {  	s29 =	simm.s32 $0x9;
	_ =	strace $0x80000048  }
0xb5: {  	_ =	swait.ge [sflag:s29], $0x1  }
0xb6: {  	[sflag:s29] =	ssyncadd.s32 $0xFFFFFFFF  }
0xb7: {  	_ =	strace $0x90000048  }
0xb8: {  	_ =	sfence  }
0xb9: {  	s30 =	sld [smem:$0x0];
	_ =	sdelay $0x2  }
0xba: {  	s31 =	sshll.u32 s1, $0xD;
	s1 =	sshrl.u32 s1, $0x2  }
0xbb: {  	s3 =	sand.u32 $0x4000, s31;
	s1 =	sadd.s32 s1, s30  }
0xbc: {  	s0 =	sor.u32 s3, s0;
	s1 =	sshll.u32 s1, $0x11  }
0xbd: {  	s0 =	sor.u32 s1, s0  }
0xbe: {  	s0 =	sadd.s32 $0x8F2B, s0  }
0xbf: {  	[sflag:s0] =	ssyncadd.remote.s32 $0x1  }
0xc0: {  	_ =	sfence.sel $0xFFFF  }
0xc1: {  	[dreg:$0x0] =	wrdreg $0xFFFFFFFF;
	(pc) =	sbr.abs _section_cstart, $3  }
0xc2: {  	[dreg:$0x1] =	wrdreg $0xFFFFFFFF  }
0xc3: {  	_ =	task.clear_ibuf [dreg:s8], $0x2FFFF;
	_ =	strace $0x9FFFFFFF  }
0xc4: {  	(tm) =	ssettm $0x7FFFFFFF  }
0xc5: {  	_ =	shalt  }
tec
execute0_lowered:
.L_overlay_start_1:
0x0: {  	(tag) =	ssettag $0x1  }
0x1: {  	s8 =	rddreg [dreg:$0x0]  }
0x2: {  	s1 =	rddreg [dreg:$0x1]  }
0x3: {  	s2 =	rddreg [dreg:$0x2]  }
0x4: {  	s0 =	rddreg [dreg:$0x3];
	s3 =	simm.s32 $0x0  }
0x5: {  	s6 =	srdreg.scid;
	s4 =	stileid.u32;
	s13 =	simm.s32 $0x5000  }
0x6: {  	s14 =	simm.s32 $0x7900;
	s15 =	simm.s32 $0x0;
	[smem:$0x7FF] =	sst s3  }
0x7: {  	v0 =	vlaneseq.u32;
	s5 =	sadd.s32 $0x1600, s8;
	s9 =	sand.u32 $0x1, s6;
	s6 =	sadd.s32 $0x1000, s8  }
0x8: {  	s11 =	sshll.u32 s4, $0x1;
	s7 =	sadd.s32 $0xA00, s8;
	v1 =	vand.u32 $0x7, v0;
	s10 =	ssub.s32 $0x2, s9  }
0x9: {  	s8 =	sadd.s32 $0x1C00, s8;
	v0 =	vmul.u32 $0x10, v0;
	_ =	strace $0x80000047;
	v1 =	vmul.u32 $0x10, v1;
	s12 =	sshrl.u32 s10, $0x1  }
0xa: {  	s9 =	sor.u32 s9, s11;
	s11 =	simm.s32 $0x1;
	s10 =	ssub.s32 s10, s12  }
0xb: {  	s9 =	smul.u32 $0x2710, s9;
	v2 =	vor.u32 $0x1, v0;
	v3 =	vor.u32 $0x2, v0;
	s12 =	simm.s32 $0x2800;
	v1 =	vor.u32 $0xFFFFFF80, v1;
	s10 =	smax.u32 s10, $0x1  }
.LBB2_1:
0xc: {  	[tilespmem:s3], [sflag:$0x1] =	stream.linear.gather [hbm4b:s5+s3], $0x2710, $0x38;
	[tilespmem:$0x7E00] =	vst v63  }
0xd: {  	_ =	swait.ge [sflag:s11], $0x2710  }
0xe: {  	[sflag:s11] =	ssyncset.done $0x0  }
0xf: {  	[sflag:s11] =	ssyncadd.s32 $0xFFFFD8F0  }
0x10: {  	[tilespmem:s12], [sflag:$0x1] =	stream.linear.gather [hbm4b:s6+s3], $0x2710, $0x38;
	[tilespmem:$0x7E00] =	vst v63  }
0x11: {  	_ =	swait.ge [sflag:s11], $0x2710  }
0x12: {  	[sflag:s11] =	ssyncset.done $0x0  }
0x13: {  	[sflag:s11] =	ssyncadd.s32 $0xFFFFD8F0  }
0x14: {  	[tilespmem:s13], [sflag:$0x1] =	stream.linear.gather [hbm4b:s7+s3], $0x2710, $0x38;
	[tilespmem:$0x7E00] =	vst v63  }
0x15: {  	_ =	swait.ge [sflag:s11], $0x2710  }
0x16: {  	[sflag:s11] =	ssyncset.done $0x0  }
0x17: {  	s16 =	simm.s32 $0x0;
	[sflag:s11] =	ssyncadd.s32 $0xFFFFD8F0  }
.LBB2_2:
0x18: {  	s17 =	smul.u32 $0x50, s16;
	_ =	sdelay $0x1  }
0x19: {  	s17 =	sadd.s32 s9, s17  }
0x1a: {  	s19 =	sshrl.u32 s17, $0x3  }
0x1b: {  	s21 =	simm.s32 $0x0;
	s18 =	simm.s32 $0x7800;
	s20 =	sadd.s32 s1, s19  }
0x1c: {  	[tilespmem:s18], [sflag:$0x1] =	stream.linear.gather [hbm4b:s20+s21], $0x50, $0x38;
	[tilespmem:$0x7E00] =	vst v63  }
0x1d: {  	_ =	swait.ge [sflag:s11], $0x50  }
0x1e: {  	[sflag:s11] =	ssyncset.done $0x0  }
0x1f: {  	s31 =	sadd.s32 s2, s19;
	s19 =	simm.s32 $0x7880;
	[sflag:s11] =	ssyncadd.s32 $0xFFFFFFB0  }
0x20: {  	[tilespmem:s19], [sflag:$0x1] =	stream.linear.gather [hbm4b:s31+s21], $0x50, $0x38;
	[tilespmem:$0x7E00] =	vst v63  }
0x21: {  	_ =	swait.ge [sflag:s11], $0x50  }
0x22: {  	[sflag:s11] =	ssyncset.done $0x0  }
0x23: {  	[sflag:s11] =	ssyncadd.s32 $0xFFFFFFB0  }
0x24: {  	v4 =	vld [tilespmem:s18+$0x0]  }
0x25: {  	v5 =	vld [tilespmem:s19+$0x0];
	_ =	sdelay $0x6  }
0x26: {  	v6 =	vld.idx.msk [tilespmem:v4+s3+$0x0], $0xffff  }
0x27: {  	v7 =	vld.idx.msk [tilespmem:v5+s3+$0x0], $0xffff  }
0x28: {  	v8 =	vor.u32 s21, v0  }
0x29: {  	v8 =	vand.u32 v1, v8;
	_ =	sdelay $0x2  }
0x2a: {  	v6 =	vsub.f32 v7, v6;
	_ =	sdelay $0x1  }
0x2b: {  	[tilespmem:v8+s14+$0x0] =	vst.idx.msk $0xffff, v6  }
0x2c: {  	v6 =	vld.idx.msk [tilespmem:v5+s12+$0x0], $0xffff  }
0x2d: {  	v7 =	vld.idx.msk [tilespmem:v4+s12+$0x0], $0xffff;
	_ =	sdelay $0x1  }
0x2e: {  	v8 =	vor.u32 s21, v2;
	_ =	sdelay $0x2  }
0x2f: {  	v6 =	vsub.f32 v6, v7;
	_ =	sdelay $0x1  }
0x30: {  	[tilespmem:v8+s14+$0x0] =	vst.idx.msk $0xffff, v6  }
0x31: {  	v5 =	vld.idx.msk [tilespmem:v5+s13+$0x0], $0xffff  }
0x32: {  	v6 =	vld.idx.msk [tilespmem:v4+s13+$0x0], $0xffff  }
0x33: {  	s20 =	simm.s32 $0x100;
	v4 =	vor.u32 s21, v3  }
.LBB2_3:
0x34: {  	_ =	sdelay $0x2  }
0x35: {  	p0 =	sne.s32 s20, $0x400;
	s18 =	sadd.s32 $0x10, s18;
	s19 =	sadd.s32 $0x10, s19;
	v5 =	vsub.f32 v5, v6  }
0x36: {  	s21 =	smov.u32 s20;
	s20 =	sadd.s32 $0x100, s20  }
0x37: {  	[tilespmem:v4+s14+$0x0] =	vst.idx.msk $0xffff, v5  }
0x38: {  	v4 =	vld [tilespmem:s18+$0x0]  }
0x39: {  	v5 =	vld [tilespmem:s19+$0x0];
	_ =	sdelay $0x6  }
0x3a: {  	v6 =	vld.idx.msk [tilespmem:v4+s3+$0x0], $0xffff  }
0x3b: {  	v7 =	vld.idx.msk [tilespmem:v5+s3+$0x0], $0xffff;
	_ =	sdelay $0x1  }
0x3c: {  	v8 =	vor.u32 s21, v0  }
0x3d: {  	v8 =	vand.u32 v1, v8;
	_ =	sdelay $0x2  }
0x3e: {  	v6 =	vsub.f32 v7, v6;
	_ =	sdelay $0x1  }
0x3f: {  	[tilespmem:v8+s14+$0x0] =	vst.idx.msk $0xffff, v6  }
0x40: {  	v6 =	vld.idx.msk [tilespmem:v5+s12+$0x0], $0xffff  }
0x41: {  	v7 =	vld.idx.msk [tilespmem:v4+s12+$0x0], $0xffff;
	_ =	sdelay $0x1  }
0x42: {  	v8 =	vor.u32 s21, v2;
	_ =	sdelay $0x3  }
0x43: {  	v6 =	vsub.f32 v6, v7  }
.Ltmp0:
0x44: {  	(pc) =	sbr.rel @p0 .LBB2_3-.Ltmp0, $4  }
0x45: {  	[tilespmem:v8+s14+$0x0] =	vst.idx.msk $0xffff, v6  }
0x46: {  	v5 =	vld.idx.msk [tilespmem:v5+s13+$0x0], $0xffff  }
0x47: {  	v6 =	vld.idx.msk [tilespmem:v4+s13+$0x0], $0xffff  }
0x48: {  	v4 =	vor.u32 s21, v3  }
0x49: {  	_ =	sdelay $0x2  }
0x4a: {  	s16 =	sadd.s32 $0x1, s16;
	v5 =	vsub.f32 v5, v6  }
0x4b: {  	s17 =	sshll.u32 s17, $0x1;
	p0 =	sne.s32 s16, $0x7D  }
.Ltmp1:
0x4c: {  	s17 =	sadd.s32 s8, s17;
	[tilespmem:v4+s14+$0x0] =	vst.idx.msk $0xffff, v5;
	(pc) =	sbr.rel @p0 .LBB2_2-.Ltmp1, $4  }
0x4d: {  	[hbm4b:s17+s3] =	stream.linear.scatter [tilespmem:s14], [sflag:$0x1], $0x500, $0x38;
	[tilespmem:$0x7E00] =	vst v63  }
0x4e: {  	_ =	swait.ge [sflag:s11], $0x500  }
0x4f: {  	[sflag:s11] =	ssyncset.done $0x0  }
0x50: {  	[sflag:s11] =	ssyncadd.s32 $0xFFFFFB00  }
0x51: {  	s15 =	sadd.s32 $0x1, s15  }
0x52: {  	p0 =	sne.s32 s15, s10  }
.Ltmp2:
0x53: {  	_ = 	snop;
	(pc) =	sbr.rel @p0 .LBB2_1-.Ltmp2, $1  }
0x54: {  	_ =	sdelay $0x3  }
0x55: {  	_ =	sfence.sel $0x180000  }
0x56: {  	[bflag:$0x0] =	sbarrier.arrive $0xFFFF  }
0x57: {  	p0 =	sne.s32 s4, $0x0;
	_ =	strace $0x90000047  }
0x58: {  	s0 =	sadd.s32 @!p0 $0x100000, s0;
	[bflag:$0x2] =	sbarrier.arrive $0xFFFF  }
0x59: {  	[sflag:s0] =	ssyncadd.tile.s32 @!p0 $0x1;
	_ =	shalt  }
.Lfunc_end2:
_tile_overlayer_lowered:
.L_overlay_start_2:
0x5a: {  	(tag) =	ssettag $0x2  }
0x5b: {  	s0 =	rddreg [dreg:$0x0];
	s2 =	stileid.u32  }
0x5c: {  	s1 =	rddreg [dreg:$0x1];
	p0 =	sne.s32 s2, $0x0  }
0x5d: {  	s3 =	rddreg [dreg:$0x2];
	[bflag:$0x3] =	sbarrier.arrive $0xFFFF;
	s2 =	simm.s32 @!p0 $0x1C01  }
0x5e: {  	[timem:s3], [sflag:s2] =	dma.local @!p0 [hbm:s0], s1  }
0x5f: {  	s0 =	simm.s32 @!p0 $0x1  }
0x60: {  	_ =	swait.ge @!p0 [sflag:s0], s1  }
0x61: {  	s1 =	ssub.s32 @!p0 $0x0, s1;
	[sflag:s0] =	ssyncset.done @!p0 $0x0  }
0x62: {  	[sflag:s0] =	ssyncadd.s32 @!p0 s1  }
0x63: {  	[bflag:$0x3] =	sbarrier.arrive $0xFFFF  }
0x64: {  	_ =	shalt  }

</sc_bundles>
